<compile_context>
chip_gen: v7x
topology: tpu7x:2x2x1
jax: 0.10.2.dev20260603
libtpu: 0.0.44.dev20260713+nightly
codegen_flags: <defaults>
</compile_context>

<pallas_src>
import functools

import jax
import jax.numpy as jnp
from jax import lax
from jax.experimental import pallas as pl
from jax.experimental.pallas import tpu as pltpu
from jax.experimental.pallas import tpu_sc as plsc

_HID = 1024
_TOT = 4 * 4096

_info = plsc.get_sparse_core_info()
_NC, _NS = _info.num_cores, _info.num_subcores
_NW = _NC * _NS
_BPW = _TOT // _NW
_CHUNK = 16
_NCHUNK = _BPW // _CHUNK


_NBUF = 4
_NROUND = _NCHUNK // _NBUF


def _embed_body(ids_hbm, table_hbm, out_hbm, idx_v, rows_v, gsem, osem):
    wid = lax.axis_index("s") * _NC + lax.axis_index("c")
    base = wid * _BPW
    pltpu.sync_copy(ids_hbm.at[pl.ds(base, _BPW)], idx_v)

    def start_gather(c, b):
        iv = jnp.maximum(idx_v[pl.ds(c * _CHUNK, _CHUNK)], 0)
        pltpu.async_copy(table_hbm.at[iv], rows_v.at[b], gsem.at[b])

    def wait_gather(b):
        pltpu.make_async_copy(
            table_hbm.at[pl.ds(0, _CHUNK)], rows_v.at[b], gsem.at[b]).wait()

    def start_out(c, b):
        pltpu.async_copy(
            rows_v.at[b], out_hbm.at[pl.ds(base + c * _CHUNK, _CHUNK)],
            osem.at[b])

    def wait_out(b):
        pltpu.make_async_copy(
            rows_v.at[b], out_hbm.at[pl.ds(base, _CHUNK)], osem.at[b]).wait()

    for b in range(_NBUF):
        start_gather(b, b)

    def _round(g, carry):
        c0 = g * _NBUF
        for b in range(_NBUF):
            c = c0 + b
            wait_gather(b)
            start_out(c, b)
            wait_out(b)
            start_gather(c + _NBUF, b)
        return carry

    lax.fori_loop(0, _NROUND - 1, _round, 0)

    c0 = (_NROUND - 1) * _NBUF
    for b in range(_NBUF):
        wait_gather(b)
        start_out(c0 + b, b)
    for b in range(_NBUF):
        wait_out(b)


_embed_gather = functools.partial(
    pl.kernel,
    mesh=plsc.VectorSubcoreMesh(core_axis_name="c", subcore_axis_name="s"),
    out_type=jax.ShapeDtypeStruct((_TOT, _HID), jnp.float32),
    scratch_types=[
        pltpu.VMEM((_BPW,), jnp.int32),
        pltpu.VMEM((_NBUF, _CHUNK, _HID), jnp.float32),
        pltpu.SemaphoreType.DMA((_NBUF,)),
        pltpu.SemaphoreType.DMA((_NBUF,)),
    ],
)(_embed_body)


def kernel(mol_emb, mol_padding_mask, llm_mask, input_ids, W):
    flat_ids = input_ids.reshape(_TOT)
    text_embeds = _embed_gather(flat_ids, W)
    text_embeds = text_embeds.reshape(input_ids.shape + (_HID,))
    return (mol_emb, mol_padding_mask, text_embeds, llm_mask, input_ids)

# --- scband reference (transcript-rebuilt; emitter-appended) ---
"""Pipeline reference for scband-llama-embeddings-pp-47949014892705 (READ-ONLY COPY).

The authoritative reference and input builder live on the scoring server;
editing this copy changes nothing except your own understanding.
"""

import jax, jax.numpy as jnp
import numpy as np

VOCAB = 100000
HID = 1024
B = 4
S = 4096
MOL_LEN = 128


def setup_inputs(seed: int = 0) -> dict:
    key = jax.random.key(seed)
    k1, k2, k3 = jax.random.split(key, 3)
    mol_emb = jax.random.normal(k1, (B, MOL_LEN, HID), dtype=jnp.float32)
    mol_padding_mask = jnp.zeros((B, MOL_LEN), dtype=bool)
    llm_mask = jnp.ones((B, S), dtype=bool)
    input_ids = jax.random.randint(k2, (B, S), 0, VOCAB, dtype=jnp.int32)
    # embedding table per init_kwargs: Embedding(vocab_size=100000, hidden_size=1024)
    W = jax.random.normal(k3, (VOCAB, HID), dtype=jnp.float32) * 0.02
    # padding_idx=0 row is initialized to zeros in nn.Embedding
    W = W.at[0, :].set(0.0)
    return {
        "mol_emb": mol_emb,
        "mol_padding_mask": mol_padding_mask,
        "llm_mask": llm_mask,
        "input_ids": input_ids,
        "W": W,
    }


def reference(mol_emb, mol_padding_mask, llm_mask, input_ids, W):
    # mol_idx_mask = input_ids < 0
    mol_idx_mask = input_ids < 0
    # input_ids.masked_fill(mol_idx_mask, 0)
    safe_ids = jnp.where(mol_idx_mask, 0, input_ids)
    # self.embed_tokens(...)
    text_embeds = jnp.take(W, safe_ids, axis=0)
    return (mol_emb, mol_padding_mask, text_embeds, llm_mask, input_ids)

if __name__ == "__main__":
    import jax
    _d = setup_inputs()
    print(jax.jit(kernel)(*tuple(_d.values())))

</pallas_src>

<mosaic_0001>
#map = affine_map<(d0, d1) -> (0)>
#map1 = affine_map<(d0, d1) -> (0, 0)>
module attributes {stable_mosaic.version = 14 : i64} {
  func.func @_embed_body(%arg0: i32, %arg1: i32, %arg2: memref<16384xi32, #tpu.memory_space<hbm>>, %arg3: memref<100000x1024xf32, #tpu.memory_space<hbm>>, %arg4: memref<16384x1024xf32, #tpu.memory_space<hbm>>, %arg5: memref<512xi32, #tpu.memory_space<vmem>>, %arg6: memref<4x16x1024xf32, #tpu.memory_space<vmem>>, %arg7: memref<4x!tpu.dma_semaphore, #tpu.memory_space<semaphore_mem>>, %arg8: memref<4x!tpu.dma_semaphore, #tpu.memory_space<semaphore_mem>>) attributes {dimension_semantics = [#tpu.dimension_semantics<core_parallel>, #tpu.dimension_semantics<subcore_parallel>], iteration_bounds = array<i64: 2, 16>, scalar_prefetch = 0 : i64, scratch_operands = 4 : i64, tpu.core_type = #tpu.core_type<sc_vector_subcore>, window_params = [{transform_indices = #map}, {transform_indices = #map1}, {transform_indices = #map1}]} {
    %mul3A = arith.constant 2 : i32
    %mul3A_0 = arith.muli %arg1, %mul3A : i32
    %add3A = arith.addi %mul3A_0, %arg0 : i32
    %mul3A_1 = arith.constant 512 : i32
    %mul3A_2 = arith.muli %add3A, %mul3A_1 : i32
    "tpu.region"() ({
      %run_scoped3A = tpu.sem_alloc : memref<!tpu.dma_semaphore, #tpu.memory_space<semaphore_mem>>
      %dma_start3A_280 = tpu.memref_slice %arg2[%mul3A_2] : memref<16384xi32, #tpu.memory_space<hbm>> -> memref<512xi32, #tpu.memory_space<hbm>>
      %dma_start3A_281 = tpu.memref_slice %arg2[%mul3A_2] : memref<16384xi32, #tpu.memory_space<hbm>> -> memref<512xi32, #tpu.memory_space<hbm>>
      tpu.enqueue_dma source(%dma_start3A_281 : memref<512xi32, #tpu.memory_space<hbm>>) target(%arg5 : memref<512xi32, #tpu.memory_space<vmem>>) target_semaphore(%run_scoped3A : memref<!tpu.dma_semaphore, #tpu.memory_space<semaphore_mem>>)
      %dma_wait3A_282 = tpu.memref_slice %arg2[%mul3A_2] : memref<16384xi32, #tpu.memory_space<hbm>> -> memref<512xi32, #tpu.memory_space<hbm>>
      %dma_wait3A_283 = tpu.memref_slice %arg2[%mul3A_2] : memref<16384xi32, #tpu.memory_space<hbm>> -> memref<512xi32, #tpu.memory_space<hbm>>
      tpu.wait_dma2 semaphore(%run_scoped3A : memref<!tpu.dma_semaphore, #tpu.memory_space<semaphore_mem>>) src(%dma_wait3A_283 : memref<512xi32, #tpu.memory_space<hbm>>) dst(%arg5 : memref<512xi32, #tpu.memory_space<vmem>>)
      tpu.yield
    }) : () -> ()
    %get3A = arith.constant 0 : index
    %get3A_3 = tpu.vector_load %arg5[%get3A] {strides = array<i32>} : memref<512xi32, #tpu.memory_space<vmem>>, vector<16xi32>,
    %get3A_4 = vector.shape_cast %get3A_3 : vector<16xi32> to vector<16xi32>
    %max3A = arith.constant 0 : i32
    %max3A_5 = vector.broadcast %max3A : i32 to vector<16xi32>
    %max3A_6 = arith.maxsi %get3A_4, %max3A_5 : vector<16xi32>
    %dma_start3A = arith.constant 0 : i32
    %dma_start3A_7 = arith.constant 0 : i32
    %dma_start3A_8 = arith.constant 0 : i32
    %dma_start3A_9 = arith.constant 0 : i32
    %dma_start3A_10 = tpu.memref_slice %arg6[%dma_start3A, %dma_start3A_8, %dma_start3A_9] : memref<4x16x1024xf32, #tpu.memory_space<vmem>> -> memref<1x16x1024xf32, #tpu.memory_space<vmem>>
    %dma_start3A_11 = tpu.memref_squeeze %dma_start3A_10 : memref<1x16x1024xf32, #tpu.memory_space<vmem>> -> memref<16x1024xf32, #tpu.memory_space<vmem>>
    %dma_start3A_12 = arith.constant 0 : i32
    %dma_start3A_13 = arith.constant 0 : i32
    %dma_start3A_14 = tpu.memref_slice %arg3[%dma_start3A_12, %dma_start3A_13] : memref<100000x1024xf32, #tpu.memory_space<hbm>> -> memref<100000x1024xf32, #tpu.memory_space<hbm>>
    %dma_start3A_15 = tpu.memref_slice %arg7[%dma_start3A_7] : memref<4x!tpu.dma_semaphore, #tpu.memory_space<semaphore_mem>> -> memref<1x!tpu.dma_semaphore, #tpu.memory_space<semaphore_mem>>
    %dma_start3A_16 = tpu.memref_squeeze %dma_start3A_15 : memref<1x!tpu.dma_semaphore, #tpu.memory_space<semaphore_mem>> -> memref<!tpu.dma_semaphore, #tpu.memory_space<semaphore_mem>>
    tpu.enqueue_indirect_dma source(%dma_start3A_14 : memref<100000x1024xf32, #tpu.memory_space<hbm>>) target(%dma_start3A_11 : memref<16x1024xf32, #tpu.memory_space<vmem>>) offsets(%max3A_6 : vector<16xi32>) semaphore(%dma_start3A_16 : memref<!tpu.dma_semaphore, #tpu.memory_space<semaphore_mem>>)
    %get3A_17 = arith.constant 16 : index
    %get3A_18 = tpu.vector_load %arg5[%get3A_17] {strides = array<i32>} : memref<512xi32, #tpu.memory_space<vmem>>, vector<16xi32>,
    %get3A_19 = vector.shape_cast %get3A_18 : vector<16xi32> to vector<16xi32>
    %max3A_20 = arith.constant 0 : i32
    %max3A_21 = vector.broadcast %max3A_20 : i32 to vector<16xi32>
    %max3A_22 = arith.maxsi %get3A_19, %max3A_21 : vector<16xi32>
    %dma_start3A_23 = arith.constant 1 : i32
    %dma_start3A_24 = arith.constant 1 : i32
    %dma_start3A_25 = arith.constant 0 : i32
    %dma_start3A_26 = arith.constant 0 : i32
    %dma_start3A_27 = tpu.memref_slice %arg6[%dma_start3A_23, %dma_start3A_25, %dma_start3A_26] : memref<4x16x1024xf32, #tpu.memory_space<vmem>> -> memref<1x16x1024xf32, #tpu.memory_space<vmem>>
    %dma_start3A_28 = tpu.memref_squeeze %dma_start3A_27 : memref<1x16x1024xf32, #tpu.memory_space<vmem>> -> memref<16x1024xf32, #tpu.memory_space<vmem>>
    %dma_start3A_29 = arith.constant 0 : i32
    %dma_start3A_30 = arith.constant 0 : i32
    %dma_start3A_31 = tpu.memref_slice %arg3[%dma_start3A_29, %dma_start3A_30] : memref<100000x1024xf32, #tpu.memory_space<hbm>> -> memref<100000x1024xf32, #tpu.memory_space<hbm>>
    %dma_start3A_32 = tpu.memref_slice %arg7[%dma_start3A_24] : memref<4x!tpu.dma_semaphore, #tpu.memory_space<semaphore_mem>> -> memref<1x!tpu.dma_semaphore, #tpu.memory_space<semaphore_mem>>
    %dma_start3A_33 = tpu.memref_squeeze %dma_start3A_32 : memref<1x!tpu.dma_semaphore, #tpu.memory_space<semaphore_mem>> -> memref<!tpu.dma_semaphore, #tpu.memory_space<semaphore_mem>>
    tpu.enqueue_indirect_dma source(%dma_start3A_31 : memref<100000x1024xf32, #tpu.memory_space<hbm>>) target(%dma_start3A_28 : memref<16x1024xf32, #tpu.memory_space<vmem>>) offsets(%max3A_22 : vector<16xi32>) semaphore(%dma_start3A_33 : memref<!tpu.dma_semaphore, #tpu.memory_space<semaphore_mem>>)
    %get3A_34 = arith.constant 32 : index
    %get3A_35 = tpu.vector_load %arg5[%get3A_34] {strides = array<i32>} : memref<512xi32, #tpu.memory_space<vmem>>, vector<16xi32>,
    %get3A_36 = vector.shape_cast %get3A_35 : vector<16xi32> to vector<16xi32>
    %max3A_37 = arith.constant 0 : i32
    %max3A_38 = vector.broadcast %max3A_37 : i32 to vector<16xi32>
    %max3A_39 = arith.maxsi %get3A_36, %max3A_38 : vector<16xi32>
    %dma_start3A_40 = arith.constant 2 : i32
    %dma_start3A_41 = arith.constant 2 : i32
    %dma_start3A_42 = arith.constant 0 : i32
    %dma_start3A_43 = arith.constant 0 : i32
    %dma_start3A_44 = tpu.memref_slice %arg6[%dma_start3A_40, %dma_start3A_42, %dma_start3A_43] : memref<4x16x1024xf32, #tpu.memory_space<vmem>> -> memref<1x16x1024xf32, #tpu.memory_space<vmem>>
    %dma_start3A_45 = tpu.memref_squeeze %dma_start3A_44 : memref<1x16x1024xf32, #tpu.memory_space<vmem>> -> memref<16x1024xf32, #tpu.memory_space<vmem>>
    %dma_start3A_46 = arith.constant 0 : i32
    %dma_start3A_47 = arith.constant 0 : i32
    %dma_start3A_48 = tpu.memref_slice %arg3[%dma_start3A_46, %dma_start3A_47] : memref<100000x1024xf32, #tpu.memory_space<hbm>> -> memref<100000x1024xf32, #tpu.memory_space<hbm>>
    %dma_start3A_49 = tpu.memref_slice %arg7[%dma_start3A_41] : memref<4x!tpu.dma_semaphore, #tpu.memory_space<semaphore_mem>> -> memref<1x!tpu.dma_semaphore, #tpu.memory_space<semaphore_mem>>
    %dma_start3A_50 = tpu.memref_squeeze %dma_start3A_49 : memref<1x!tpu.dma_semaphore, #tpu.memory_space<semaphore_mem>> -> memref<!tpu.dma_semaphore, #tpu.memory_space<semaphore_mem>>
    tpu.enqueue_indirect_dma source(%dma_start3A_48 : memref<100000x1024xf32, #tpu.memory_space<hbm>>) target(%dma_start3A_45 : memref<16x1024xf32, #tpu.memory_space<vmem>>) offsets(%max3A_39 : vector<16xi32>) semaphore(%dma_start3A_50 : memref<!tpu.dma_semaphore, #tpu.memory_space<semaphore_mem>>)
    %get3A_51 = arith.constant 48 : index
    %get3A_52 = tpu.vector_load %arg5[%get3A_51] {strides = array<i32>} : memref<512xi32, #tpu.memory_space<vmem>>, vector<16xi32>,
    %get3A_53 = vector.shape_cast %get3A_52 : vector<16xi32> to vector<16xi32>
    %max3A_54 = arith.constant 0 : i32
    %max3A_55 = vector.broadcast %max3A_54 : i32 to vector<16xi32>
    %max3A_56 = arith.maxsi %get3A_53, %max3A_55 : vector<16xi32>
    %dma_start3A_57 = arith.constant 3 : i32
    %dma_start3A_58 = arith.constant 3 : i32
    %dma_start3A_59 = arith.constant 0 : i32
    %dma_start3A_60 = arith.constant 0 : i32
    %dma_start3A_61 = tpu.memref_slice %arg6[%dma_start3A_57, %dma_start3A_59, %dma_start3A_60] : memref<4x16x1024xf32, #tpu.memory_space<vmem>> -> memref<1x16x1024xf32, #tpu.memory_space<vmem>>
    %dma_start3A_62 = tpu.memref_squeeze %dma_start3A_61 : memref<1x16x1024xf32, #tpu.memory_space<vmem>> -> memref<16x1024xf32, #tpu.memory_space<vmem>>
    %dma_start3A_63 = arith.constant 0 : i32
    %dma_start3A_64 = arith.constant 0 : i32
    %dma_start3A_65 = tpu.memref_slice %arg3[%dma_start3A_63, %dma_start3A_64] : memref<100000x1024xf32, #tpu.memory_space<hbm>> -> memref<100000x1024xf32, #tpu.memory_space<hbm>>
    %dma_start3A_66 = tpu.memref_slice %arg7[%dma_start3A_58] : memref<4x!tpu.dma_semaphore, #tpu.memory_space<semaphore_mem>> -> memref<1x!tpu.dma_semaphore, #tpu.memory_space<semaphore_mem>>
    %dma_start3A_67 = tpu.memref_squeeze %dma_start3A_66 : memref<1x!tpu.dma_semaphore, #tpu.memory_space<semaphore_mem>> -> memref<!tpu.dma_semaphore, #tpu.memory_space<semaphore_mem>>
    tpu.enqueue_indirect_dma source(%dma_start3A_65 : memref<100000x1024xf32, #tpu.memory_space<hbm>>) target(%dma_start3A_62 : memref<16x1024xf32, #tpu.memory_space<vmem>>) offsets(%max3A_56 : vector<16xi32>) semaphore(%dma_start3A_67 : memref<!tpu.dma_semaphore, #tpu.memory_space<semaphore_mem>>)
    %scan3A = arith.constant 0 : i32
    %scan3A_68 = arith.constant 0 : i32
    %scan3A_69 = arith.constant 7 : i32
    %scan3A_70 = arith.addi %scan3A_68, %scan3A_69 : i32
    %scan3A_71 = arith.constant 1 : i32
    scf.for %scan3A_280 = %scan3A_68 to %scan3A_70 step %scan3A_71  : i32 {
      %mul3A_281 = arith.constant 4 : i32
      %mul3A_282 = arith.muli %scan3A_280, %mul3A_281 : i32
      %add3A_283 = arith.constant 0 : i32
      %add3A_284 = arith.addi %mul3A_282, %add3A_283 : i32
      %dma_wait3A_285 = arith.constant 0 : i32
      %dma_wait3A_286 = arith.constant 0 : i32
      %dma_wait3A_287 = arith.constant 0 : i32
      %dma_wait3A_288 = arith.constant 0 : i32
      %dma_wait3A_289 = tpu.memref_slice %arg6[%dma_wait3A_285, %dma_wait3A_287, %dma_wait3A_288] : memref<4x16x1024xf32, #tpu.memory_space<vmem>> -> memref<1x16x1024xf32, #tpu.memory_space<vmem>>
      %dma_wait3A_290 = tpu.memref_squeeze %dma_wait3A_289 : memref<1x16x1024xf32, #tpu.memory_space<vmem>> -> memref<16x1024xf32, #tpu.memory_space<vmem>>
      %dma_wait3A_291 = arith.constant 0 : i32
      %dma_wait3A_292 = arith.constant 0 : i32
      %dma_wait3A_293 = tpu.memref_slice %arg3[%dma_wait3A_291, %dma_wait3A_292] : memref<100000x1024xf32, #tpu.memory_space<hbm>> -> memref<16x1024xf32, #tpu.memory_space<hbm>>
      %dma_wait3A_294 = tpu.memref_slice %arg7[%dma_wait3A_286] : memref<4x!tpu.dma_semaphore, #tpu.memory_space<semaphore_mem>> -> memref<1x!tpu.dma_semaphore, #tpu.memory_space<semaphore_mem>>
      %dma_wait3A_295 = tpu.memref_squeeze %dma_wait3A_294 : memref<1x!tpu.dma_semaphore, #tpu.memory_space<semaphore_mem>> -> memref<!tpu.dma_semaphore, #tpu.memory_space<semaphore_mem>>
      %dma_wait3A_296 = arith.constant 0 : i32
      %dma_wait3A_297 = arith.constant 0 : i32
      %dma_wait3A_298 = tpu.memref_slice %arg6[%dma_wait3A_285, %dma_wait3A_296, %dma_wait3A_297] : memref<4x16x1024xf32, #tpu.memory_space<vmem>> -> memref<1x16x1024xf32, #tpu.memory_space<vmem>>
      %dma_wait3A_299 = tpu.memref_squeeze %dma_wait3A_298 : memref<1x16x1024xf32, #tpu.memory_space<vmem>> -> memref<16x1024xf32, #tpu.memory_space<vmem>>
      %dma_wait3A_300 = arith.constant 0 : i32
      %dma_wait3A_301 = arith.constant 0 : i32
      %dma_wait3A_302 = tpu.memref_slice %arg3[%dma_wait3A_300, %dma_wait3A_301] : memref<100000x1024xf32, #tpu.memory_space<hbm>> -> memref<16x1024xf32, #tpu.memory_space<hbm>>
      tpu.wait_dma2 semaphore(%dma_wait3A_295 : memref<!tpu.dma_semaphore, #tpu.memory_space<semaphore_mem>>) src(%dma_wait3A_302 : memref<16x1024xf32, #tpu.memory_space<hbm>>) dst(%dma_wait3A_299 : memref<16x1024xf32, #tpu.memory_space<vmem>>)
      %mul3A_303 = arith.constant 16 : i32
      %mul3A_304 = arith.muli %add3A_284, %mul3A_303 : i32
      %add3A_305 = arith.addi %mul3A_2, %mul3A_304 : i32
      %dma_start3A_306 = arith.constant 0 : i32
      %dma_start3A_307 = arith.constant 0 : i32
      %dma_start3A_308 = arith.constant 0 : i32
      %dma_start3A_309 = arith.constant 0 : i32
      %dma_start3A_310 = tpu.memref_slice %arg6[%dma_start3A_306, %dma_start3A_308, %dma_start3A_309] : memref<4x16x1024xf32, #tpu.memory_space<vmem>> -> memref<1x16x1024xf32, #tpu.memory_space<vmem>>
      %dma_start3A_311 = tpu.memref_squeeze %dma_start3A_310 : memref<1x16x1024xf32, #tpu.memory_space<vmem>> -> memref<16x1024xf32, #tpu.memory_space<vmem>>
      %dma_start3A_312 = arith.constant 0 : i32
      %dma_start3A_313 = tpu.memref_slice %arg4[%add3A_305, %dma_start3A_312] : memref<16384x1024xf32, #tpu.memory_space<hbm>> -> memref<16x1024xf32, #tpu.memory_space<hbm>>
      %dma_start3A_314 = tpu.memref_slice %arg8[%dma_start3A_307] : memref<4x!tpu.dma_semaphore, #tpu.memory_space<semaphore_mem>> -> memref<1x!tpu.dma_semaphore, #tpu.memory_space<semaphore_mem>>
      %dma_start3A_315 = tpu.memref_squeeze %dma_start3A_314 : memref<1x!tpu.dma_semaphore, #tpu.memory_space<semaphore_mem>> -> memref<!tpu.dma_semaphore, #tpu.memory_space<semaphore_mem>>
      %dma_start3A_316 = arith.constant 0 : i32
      %dma_start3A_317 = tpu.memref_slice %arg4[%add3A_305, %dma_start3A_316] : memref<16384x1024xf32, #tpu.memory_space<hbm>> -> memref<16x1024xf32, #tpu.memory_space<hbm>>
      %dma_start3A_318 = arith.constant 0 : i32
      %dma_start3A_319 = arith.constant 0 : i32
      %dma_start3A_320 = tpu.memref_slice %arg6[%dma_start3A_306, %dma_start3A_318, %dma_start3A_319] : memref<4x16x1024xf32, #tpu.memory_space<vmem>> -> memref<1x16x1024xf32, #tpu.memory_space<vmem>>
      %dma_start3A_321 = tpu.memref_squeeze %dma_start3A_320 : memref<1x16x1024xf32, #tpu.memory_space<vmem>> -> memref<16x1024xf32, #tpu.memory_space<vmem>>
      tpu.enqueue_dma source(%dma_start3A_321 : memref<16x1024xf32, #tpu.memory_space<vmem>>) target(%dma_start3A_317 : memref<16x1024xf32, #tpu.memory_space<hbm>>) target_semaphore(%dma_start3A_315 : memref<!tpu.dma_semaphore, #tpu.memory_space<semaphore_mem>>)
      %dma_wait3A_322 = arith.constant 0 : i32
      %dma_wait3A_323 = arith.constant 0 : i32
      %dma_wait3A_324 = arith.constant 0 : i32
      %dma_wait3A_325 = arith.constant 0 : i32
      %dma_wait3A_326 = tpu.memref_slice %arg6[%dma_wait3A_322, %dma_wait3A_324, %dma_wait3A_325] : memref<4x16x1024xf32, #tpu.memory_space<vmem>> -> memref<1x16x1024xf32, #tpu.memory_space<vmem>>
      %dma_wait3A_327 = tpu.memref_squeeze %dma_wait3A_326 : memref<1x16x1024xf32, #tpu.memory_space<vmem>> -> memref<16x1024xf32, #tpu.memory_space<vmem>>
      %dma_wait3A_328 = arith.constant 0 : i32
      %dma_wait3A_329 = tpu.memref_slice %arg4[%mul3A_2, %dma_wait3A_328] : memref<16384x1024xf32, #tpu.memory_space<hbm>> -> memref<16x1024xf32, #tpu.memory_space<hbm>>
      %dma_wait3A_330 = tpu.memref_slice %arg8[%dma_wait3A_323] : memref<4x!tpu.dma_semaphore, #tpu.memory_space<semaphore_mem>> -> memref<1x!tpu.dma_semaphore, #tpu.memory_space<semaphore_mem>>
      %dma_wait3A_331 = tpu.memref_squeeze %dma_wait3A_330 : memref<1x!tpu.dma_semaphore, #tpu.memory_space<semaphore_mem>> -> memref<!tpu.dma_semaphore, #tpu.memory_space<semaphore_mem>>
      %dma_wait3A_332 = arith.constant 0 : i32
      %dma_wait3A_333 = tpu.memref_slice %arg4[%mul3A_2, %dma_wait3A_332] : memref<16384x1024xf32, #tpu.memory_space<hbm>> -> memref<16x1024xf32, #tpu.memory_space<hbm>>
      %dma_wait3A_334 = arith.constant 0 : i32
      %dma_wait3A_335 = arith.constant 0 : i32
      %dma_wait3A_336 = tpu.memref_slice %arg6[%dma_wait3A_322, %dma_wait3A_334, %dma_wait3A_335] : memref<4x16x1024xf32, #tpu.memory_space<vmem>> -> memref<1x16x1024xf32, #tpu.memory_space<vmem>>
      %dma_wait3A_337 = tpu.memref_squeeze %dma_wait3A_336 : memref<1x16x1024xf32, #tpu.memory_space<vmem>> -> memref<16x1024xf32, #tpu.memory_space<vmem>>
      tpu.wait_dma2 semaphore(%dma_wait3A_331 : memref<!tpu.dma_semaphore, #tpu.memory_space<semaphore_mem>>) src(%dma_wait3A_337 : memref<16x1024xf32, #tpu.memory_space<vmem>>) dst(%dma_wait3A_333 : memref<16x1024xf32, #tpu.memory_space<hbm>>)
      %add3A_338 = arith.constant 4 : i32
      %add3A_339 = arith.addi %add3A_284, %add3A_338 : i32
      %mul3A_340 = arith.constant 16 : i32
      %mul3A_341 = arith.muli %add3A_339, %mul3A_340 : i32
      %get3A_342 = arith.index_cast %mul3A_341 : i32 to index
      %get3A_343 = tpu.vector_load %arg5[%get3A_342] {strides = array<i32>} : memref<512xi32, #tpu.memory_space<vmem>>, vector<16xi32>,
      %get3A_344 = vector.shape_cast %get3A_343 : vector<16xi32> to vector<16xi32>
      %max3A_345 = arith.constant 0 : i32
      %max3A_346 = vector.broadcast %max3A_345 : i32 to vector<16xi32>
      %max3A_347 = arith.maxsi %get3A_344, %max3A_346 : vector<16xi32>
      %dma_start3A_348 = arith.constant 0 : i32
      %dma_start3A_349 = arith.constant 0 : i32
      %dma_start3A_350 = arith.constant 0 : i32
      %dma_start3A_351 = arith.constant 0 : i32
      %dma_start3A_352 = tpu.memref_slice %arg6[%dma_start3A_348, %dma_start3A_350, %dma_start3A_351] : memref<4x16x1024xf32, #tpu.memory_space<vmem>> -> memref<1x16x1024xf32, #tpu.memory_space<vmem>>
      %dma_start3A_353 = tpu.memref_squeeze %dma_start3A_352 : memref<1x16x1024xf32, #tpu.memory_space<vmem>> -> memref<16x1024xf32, #tpu.memory_space<vmem>>
      %dma_start3A_354 = arith.constant 0 : i32
      %dma_start3A_355 = arith.constant 0 : i32
      %dma_start3A_356 = tpu.memref_slice %arg3[%dma_start3A_354, %dma_start3A_355] : memref<100000x1024xf32, #tpu.memory_space<hbm>> -> memref<100000x1024xf32, #tpu.memory_space<hbm>>
      %dma_start3A_357 = tpu.memref_slice %arg7[%dma_start3A_349] : memref<4x!tpu.dma_semaphore, #tpu.memory_space<semaphore_mem>> -> memref<1x!tpu.dma_semaphore, #tpu.memory_space<semaphore_mem>>
      %dma_start3A_358 = tpu.memref_squeeze %dma_start3A_357 : memref<1x!tpu.dma_semaphore, #tpu.memory_space<semaphore_mem>> -> memref<!tpu.dma_semaphore, #tpu.memory_space<semaphore_mem>>
      tpu.enqueue_indirect_dma source(%dma_start3A_356 : memref<100000x1024xf32, #tpu.memory_space<hbm>>) target(%dma_start3A_353 : memref<16x1024xf32, #tpu.memory_space<vmem>>) offsets(%max3A_347 : vector<16xi32>) semaphore(%dma_start3A_358 : memref<!tpu.dma_semaphore, #tpu.memory_space<semaphore_mem>>)
      %add3A_359 = arith.constant 1 : i32
      %add3A_360 = arith.addi %mul3A_282, %add3A_359 : i32
      %dma_wait3A_361 = arith.constant 1 : i32
      %dma_wait3A_362 = arith.constant 1 : i32
      %dma_wait3A_363 = arith.constant 0 : i32
      %dma_wait3A_364 = arith.constant 0 : i32
      %dma_wait3A_365 = tpu.memref_slice %arg6[%dma_wait3A_361, %dma_wait3A_363, %dma_wait3A_364] : memref<4x16x1024xf32, #tpu.memory_space<vmem>> -> memref<1x16x1024xf32, #tpu.memory_space<vmem>>
      %dma_wait3A_366 = tpu.memref_squeeze %dma_wait3A_365 : memref<1x16x1024xf32, #tpu.memory_space<vmem>> -> memref<16x1024xf32, #tpu.memory_space<vmem>>
      %dma_wait3A_367 = arith.constant 0 : i32
      %dma_wait3A_368 = arith.constant 0 : i32
      %dma_wait3A_369 = tpu.memref_slice %arg3[%dma_wait3A_367, %dma_wait3A_368] : memref<100000x1024xf32, #tpu.memory_space<hbm>> -> memref<16x1024xf32, #tpu.memory_space<hbm>>
      %dma_wait3A_370 = tpu.memref_slice %arg7[%dma_wait3A_362] : memref<4x!tpu.dma_semaphore, #tpu.memory_space<semaphore_mem>> -> memref<1x!tpu.dma_semaphore, #tpu.memory_space<semaphore_mem>>
      %dma_wait3A_371 = tpu.memref_squeeze %dma_wait3A_370 : memref<1x!tpu.dma_semaphore, #tpu.memory_space<semaphore_mem>> -> memref<!tpu.dma_semaphore, #tpu.memory_space<semaphore_mem>>
      %dma_wait3A_372 = arith.constant 0 : i32
      %dma_wait3A_373 = arith.constant 0 : i32
      %dma_wait3A_374 = tpu.memref_slice %arg6[%dma_wait3A_361, %dma_wait3A_372, %dma_wait3A_373] : memref<4x16x1024xf32, #tpu.memory_space<vmem>> -> memref<1x16x1024xf32, #tpu.memory_space<vmem>>
      %dma_wait3A_375 = tpu.memref_squeeze %dma_wait3A_374 : memref<1x16x1024xf32, #tpu.memory_space<vmem>> -> memref<16x1024xf32, #tpu.memory_space<vmem>>
      %dma_wait3A_376 = arith.constant 0 : i32
      %dma_wait3A_377 = arith.constant 0 : i32
      %dma_wait3A_378 = tpu.memref_slice %arg3[%dma_wait3A_376, %dma_wait3A_377] : memref<100000x1024xf32, #tpu.memory_space<hbm>> -> memref<16x1024xf32, #tpu.memory_space<hbm>>
      tpu.wait_dma2 semaphore(%dma_wait3A_371 : memref<!tpu.dma_semaphore, #tpu.memory_space<semaphore_mem>>) src(%dma_wait3A_378 : memref<16x1024xf32, #tpu.memory_space<hbm>>) dst(%dma_wait3A_375 : memref<16x1024xf32, #tpu.memory_space<vmem>>)
      %mul3A_379 = arith.constant 16 : i32
      %mul3A_380 = arith.muli %add3A_360, %mul3A_379 : i32
      %add3A_381 = arith.addi %mul3A_2, %mul3A_380 : i32
      %dma_start3A_382 = arith.constant 1 : i32
      %dma_start3A_383 = arith.constant 1 : i32
      %dma_start3A_384 = arith.constant 0 : i32
      %dma_start3A_385 = arith.constant 0 : i32
      %dma_start3A_386 = tpu.memref_slice %arg6[%dma_start3A_382, %dma_start3A_384, %dma_start3A_385] : memref<4x16x1024xf32, #tpu.memory_space<vmem>> -> memref<1x16x1024xf32, #tpu.memory_space<vmem>>
      %dma_start3A_387 = tpu.memref_squeeze %dma_start3A_386 : memref<1x16x1024xf32, #tpu.memory_space<vmem>> -> memref<16x1024xf32, #tpu.memory_space<vmem>>
      %dma_start3A_388 = arith.constant 0 : i32
      %dma_start3A_389 = tpu.memref_slice %arg4[%add3A_381, %dma_start3A_388] : memref<16384x1024xf32, #tpu.memory_space<hbm>> -> memref<16x1024xf32, #tpu.memory_space<hbm>>
      %dma_start3A_390 = tpu.memref_slice %arg8[%dma_start3A_383] : memref<4x!tpu.dma_semaphore, #tpu.memory_space<semaphore_mem>> -> memref<1x!tpu.dma_semaphore, #tpu.memory_space<semaphore_mem>>
      %dma_start3A_391 = tpu.memref_squeeze %dma_start3A_390 : memref<1x!tpu.dma_semaphore, #tpu.memory_space<semaphore_mem>> -> memref<!tpu.dma_semaphore, #tpu.memory_space<semaphore_mem>>
      %dma_start3A_392 = arith.constant 0 : i32
      %dma_start3A_393 = tpu.memref_slice %arg4[%add3A_381, %dma_start3A_392] : memref<16384x1024xf32, #tpu.memory_space<hbm>> -> memref<16x1024xf32, #tpu.memory_space<hbm>>
      %dma_start3A_394 = arith.constant 0 : i32
      %dma_start3A_395 = arith.constant 0 : i32
      %dma_start3A_396 = tpu.memref_slice %arg6[%dma_start3A_382, %dma_start3A_394, %dma_start3A_395] : memref<4x16x1024xf32, #tpu.memory_space<vmem>> -> memref<1x16x1024xf32, #tpu.memory_space<vmem>>
      %dma_start3A_397 = tpu.memref_squeeze %dma_start3A_396 : memref<1x16x1024xf32, #tpu.memory_space<vmem>> -> memref<16x1024xf32, #tpu.memory_space<vmem>>
      tpu.enqueue_dma source(%dma_start3A_397 : memref<16x1024xf32, #tpu.memory_space<vmem>>) target(%dma_start3A_393 : memref<16x1024xf32, #tpu.memory_space<hbm>>) target_semaphore(%dma_start3A_391 : memref<!tpu.dma_semaphore, #tpu.memory_space<semaphore_mem>>)
      %dma_wait3A_398 = arith.constant 1 : i32
      %dma_wait3A_399 = arith.constant 1 : i32
      %dma_wait3A_400 = arith.constant 0 : i32
      %dma_wait3A_401 = arith.constant 0 : i32
      %dma_wait3A_402 = tpu.memref_slice %arg6[%dma_wait3A_398, %dma_wait3A_400, %dma_wait3A_401] : memref<4x16x1024xf32, #tpu.memory_space<vmem>> -> memref<1x16x1024xf32, #tpu.memory_space<vmem>>
      %dma_wait3A_403 = tpu.memref_squeeze %dma_wait3A_402 : memref<1x16x1024xf32, #tpu.memory_space<vmem>> -> memref<16x1024xf32, #tpu.memory_space<vmem>>
      %dma_wait3A_404 = arith.constant 0 : i32
      %dma_wait3A_405 = tpu.memref_slice %arg4[%mul3A_2, %dma_wait3A_404] : memref<16384x1024xf32, #tpu.memory_space<hbm>> -> memref<16x1024xf32, #tpu.memory_space<hbm>>
      %dma_wait3A_406 = tpu.memref_slice %arg8[%dma_wait3A_399] : memref<4x!tpu.dma_semaphore, #tpu.memory_space<semaphore_mem>> -> memref<1x!tpu.dma_semaphore, #tpu.memory_space<semaphore_mem>>
      %dma_wait3A_407 = tpu.memref_squeeze %dma_wait3A_406 : memref<1x!tpu.dma_semaphore, #tpu.memory_space<semaphore_mem>> -> memref<!tpu.dma_semaphore, #tpu.memory_space<semaphore_mem>>
      %dma_wait3A_408 = arith.constant 0 : i32
      %dma_wait3A_409 = tpu.memref_slice %arg4[%mul3A_2, %dma_wait3A_408] : memref<16384x1024xf32, #tpu.memory_space<hbm>> -> memref<16x1024xf32, #tpu.memory_space<hbm>>
      %dma_wait3A_410 = arith.constant 0 : i32
      %dma_wait3A_411 = arith.constant 0 : i32
      %dma_wait3A_412 = tpu.memref_slice %arg6[%dma_wait3A_398, %dma_wait3A_410, %dma_wait3A_411] : memref<4x16x1024xf32, #tpu.memory_space<vmem>> -> memref<1x16x1024xf32, #tpu.memory_space<vmem>>
      %dma_wait3A_413 = tpu.memref_squeeze %dma_wait3A_412 : memref<1x16x1024xf32, #tpu.memory_space<vmem>> -> memref<16x1024xf32, #tpu.memory_space<vmem>>
      tpu.wait_dma2 semaphore(%dma_wait3A_407 : memref<!tpu.dma_semaphore, #tpu.memory_space<semaphore_mem>>) src(%dma_wait3A_413 : memref<16x1024xf32, #tpu.memory_space<vmem>>) dst(%dma_wait3A_409 : memref<16x1024xf32, #tpu.memory_space<hbm>>)
      %add3A_414 = arith.constant 4 : i32
      %add3A_415 = arith.addi %add3A_360, %add3A_414 : i32
      %mul3A_416 = arith.constant 16 : i32
      %mul3A_417 = arith.muli %add3A_415, %mul3A_416 : i32
      %get3A_418 = arith.index_cast %mul3A_417 : i32 to index
      %get3A_419 = tpu.vector_load %arg5[%get3A_418] {strides = array<i32>} : memref<512xi32, #tpu.memory_space<vmem>>, vector<16xi32>,
      %get3A_420 = vector.shape_cast %get3A_419 : vector<16xi32> to vector<16xi32>
      %max3A_421 = arith.constant 0 : i32
      %max3A_422 = vector.broadcast %max3A_421 : i32 to vector<16xi32>
      %max3A_423 = arith.maxsi %get3A_420, %max3A_422 : vector<16xi32>
      %dma_start3A_424 = arith.constant 1 : i32
      %dma_start3A_425 = arith.constant 1 : i32
      %dma_start3A_426 = arith.constant 0 : i32
      %dma_start3A_427 = arith.constant 0 : i32
      %dma_start3A_428 = tpu.memref_slice %arg6[%dma_start3A_424, %dma_start3A_426, %dma_start3A_427] : memref<4x16x1024xf32, #tpu.memory_space<vmem>> -> memref<1x16x1024xf32, #tpu.memory_space<vmem>>
      %dma_start3A_429 = tpu.memref_squeeze %dma_start3A_428 : memref<1x16x1024xf32, #tpu.memory_space<vmem>> -> memref<16x1024xf32, #tpu.memory_space<vmem>>
      %dma_start3A_430 = arith.constant 0 : i32
      %dma_start3A_431 = arith.constant 0 : i32
      %dma_start3A_432 = tpu.memref_slice %arg3[%dma_start3A_430, %dma_start3A_431] : memref<100000x1024xf32, #tpu.memory_space<hbm>> -> memref<100000x1024xf32, #tpu.memory_space<hbm>>
      %dma_start3A_433 = tpu.memref_slice %arg7[%dma_start3A_425] : memref<4x!tpu.dma_semaphore, #tpu.memory_space<semaphore_mem>> -> memref<1x!tpu.dma_semaphore, #tpu.memory_space<semaphore_mem>>
      %dma_start3A_434 = tpu.memref_squeeze %dma_start3A_433 : memref<1x!tpu.dma_semaphore, #tpu.memory_space<semaphore_mem>> -> memref<!tpu.dma_semaphore, #tpu.memory_space<semaphore_mem>>
      tpu.enqueue_indirect_dma source(%dma_start3A_432 : memref<100000x1024xf32, #tpu.memory_space<hbm>>) target(%dma_start3A_429 : memref<16x1024xf32, #tpu.memory_space<vmem>>) offsets(%max3A_423 : vector<16xi32>) semaphore(%dma_start3A_434 : memref<!tpu.dma_semaphore, #tpu.memory_space<semaphore_mem>>)
      %add3A_435 = arith.constant 2 : i32
      %add3A_436 = arith.addi %mul3A_282, %add3A_435 : i32
      %dma_wait3A_437 = arith.constant 2 : i32
      %dma_wait3A_438 = arith.constant 2 : i32
      %dma_wait3A_439 = arith.constant 0 : i32
      %dma_wait3A_440 = arith.constant 0 : i32
      %dma_wait3A_441 = tpu.memref_slice %arg6[%dma_wait3A_437, %dma_wait3A_439, %dma_wait3A_440] : memref<4x16x1024xf32, #tpu.memory_space<vmem>> -> memref<1x16x1024xf32, #tpu.memory_space<vmem>>
      %dma_wait3A_442 = tpu.memref_squeeze %dma_wait3A_441 : memref<1x16x1024xf32, #tpu.memory_space<vmem>> -> memref<16x1024xf32, #tpu.memory_space<vmem>>
      %dma_wait3A_443 = arith.constant 0 : i32
      %dma_wait3A_444 = arith.constant 0 : i32
      %dma_wait3A_445 = tpu.memref_slice %arg3[%dma_wait3A_443, %dma_wait3A_444] : memref<100000x1024xf32, #tpu.memory_space<hbm>> -> memref<16x1024xf32, #tpu.memory_space<hbm>>
      %dma_wait3A_446 = tpu.memref_slice %arg7[%dma_wait3A_438] : memref<4x!tpu.dma_semaphore, #tpu.memory_space<semaphore_mem>> -> memref<1x!tpu.dma_semaphore, #tpu.memory_space<semaphore_mem>>
      %dma_wait3A_447 = tpu.memref_squeeze %dma_wait3A_446 : memref<1x!tpu.dma_semaphore, #tpu.memory_space<semaphore_mem>> -> memref<!tpu.dma_semaphore, #tpu.memory_space<semaphore_mem>>
      %dma_wait3A_448 = arith.constant 0 : i32
      %dma_wait3A_449 = arith.constant 0 : i32
      %dma_wait3A_450 = tpu.memref_slice %arg6[%dma_wait3A_437, %dma_wait3A_448, %dma_wait3A_449] : memref<4x16x1024xf32, #tpu.memory_space<vmem>> -> memref<1x16x1024xf32, #tpu.memory_space<vmem>>
      %dma_wait3A_451 = tpu.memref_squeeze %dma_wait3A_450 : memref<1x16x1024xf32, #tpu.memory_space<vmem>> -> memref<16x1024xf32, #tpu.memory_space<vmem>>
      %dma_wait3A_452 = arith.constant 0 : i32
      %dma_wait3A_453 = arith.constant 0 : i32
      %dma_wait3A_454 = tpu.memref_slice %arg3[%dma_wait3A_452, %dma_wait3A_453] : memref<100000x1024xf32, #tpu.memory_space<hbm>> -> memref<16x1024xf32, #tpu.memory_space<hbm>>
      tpu.wait_dma2 semaphore(%dma_wait3A_447 : memref<!tpu.dma_semaphore, #tpu.memory_space<semaphore_mem>>) src(%dma_wait3A_454 : memref<16x1024xf32, #tpu.memory_space<hbm>>) dst(%dma_wait3A_451 : memref<16x1024xf32, #tpu.memory_space<vmem>>)
      %mul3A_455 = arith.constant 16 : i32
      %mul3A_456 = arith.muli %add3A_436, %mul3A_455 : i32
      %add3A_457 = arith.addi %mul3A_2, %mul3A_456 : i32
      %dma_start3A_458 = arith.constant 2 : i32
      %dma_start3A_459 = arith.constant 2 : i32
      %dma_start3A_460 = arith.constant 0 : i32
      %dma_start3A_461 = arith.constant 0 : i32
      %dma_start3A_462 = tpu.memref_slice %arg6[%dma_start3A_458, %dma_start3A_460, %dma_start3A_461] : memref<4x16x1024xf32, #tpu.memory_space<vmem>> -> memref<1x16x1024xf32, #tpu.memory_space<vmem>>
      %dma_start3A_463 = tpu.memref_squeeze %dma_start3A_462 : memref<1x16x1024xf32, #tpu.memory_space<vmem>> -> memref<16x1024xf32, #tpu.memory_space<vmem>>
      %dma_start3A_464 = arith.constant 0 : i32
      %dma_start3A_465 = tpu.memref_slice %arg4[%add3A_457, %dma_start3A_464] : memref<16384x1024xf32, #tpu.memory_space<hbm>> -> memref<16x1024xf32, #tpu.memory_space<hbm>>
      %dma_start3A_466 = tpu.memref_slice %arg8[%dma_start3A_459] : memref<4x!tpu.dma_semaphore, #tpu.memory_space<semaphore_mem>> -> memref<1x!tpu.dma_semaphore, #tpu.memory_space<semaphore_mem>>
      %dma_start3A_467 = tpu.memref_squeeze %dma_start3A_466 : memref<1x!tpu.dma_semaphore, #tpu.memory_space<semaphore_mem>> -> memref<!tpu.dma_semaphore, #tpu.memory_space<semaphore_mem>>
      %dma_start3A_468 = arith.constant 0 : i32
      %dma_start3A_469 = tpu.memref_slice %arg4[%add3A_457, %dma_start3A_468] : memref<16384x1024xf32, #tpu.memory_space<hbm>> -> memref<16x1024xf32, #tpu.memory_space<hbm>>
      %dma_start3A_470 = arith.constant 0 : i32
      %dma_start3A_471 = arith.constant 0 : i32
      %dma_start3A_472 = tpu.memref_slice %arg6[%dma_start3A_458, %dma_start3A_470, %dma_start3A_471] : memref<4x16x1024xf32, #tpu.memory_space<vmem>> -> memref<1x16x1024xf32, #tpu.memory_space<vmem>>
      %dma_start3A_473 = tpu.memref_squeeze %dma_start3A_472 : memref<1x16x1024xf32, #tpu.memory_space<vmem>> -> memref<16x1024xf32, #tpu.memory_space<vmem>>
      tpu.enqueue_dma source(%dma_start3A_473 : memref<16x1024xf32, #tpu.memory_space<vmem>>) target(%dma_start3A_469 : memref<16x1024xf32, #tpu.memory_space<hbm>>) target_semaphore(%dma_start3A_467 : memref<!tpu.dma_semaphore, #tpu.memory_space<semaphore_mem>>)
      %dma_wait3A_474 = arith.constant 2 : i32
      %dma_wait3A_475 = arith.constant 2 : i32
      %dma_wait3A_476 = arith.constant 0 : i32
      %dma_wait3A_477 = arith.constant 0 : i32
      %dma_wait3A_478 = tpu.memref_slice %arg6[%dma_wait3A_474, %dma_wait3A_476, %dma_wait3A_477] : memref<4x16x1024xf32, #tpu.memory_space<vmem>> -> memref<1x16x1024xf32, #tpu.memory_space<vmem>>
      %dma_wait3A_479 = tpu.memref_squeeze %dma_wait3A_478 : memref<1x16x1024xf32, #tpu.memory_space<vmem>> -> memref<16x1024xf32, #tpu.memory_space<vmem>>
      %dma_wait3A_480 = arith.constant 0 : i32
      %dma_wait3A_481 = tpu.memref_slice %arg4[%mul3A_2, %dma_wait3A_480] : memref<16384x1024xf32, #tpu.memory_space<hbm>> -> memref<16x1024xf32, #tpu.memory_space<hbm>>
      %dma_wait3A_482 = tpu.memref_slice %arg8[%dma_wait3A_475] : memref<4x!tpu.dma_semaphore, #tpu.memory_space<semaphore_mem>> -> memref<1x!tpu.dma_semaphore, #tpu.memory_space<semaphore_mem>>
      %dma_wait3A_483 = tpu.memref_squeeze %dma_wait3A_482 : memref<1x!tpu.dma_semaphore, #tpu.memory_space<semaphore_mem>> -> memref<!tpu.dma_semaphore, #tpu.memory_space<semaphore_mem>>
      %dma_wait3A_484 = arith.constant 0 : i32
      %dma_wait3A_485 = tpu.memref_slice %arg4[%mul3A_2, %dma_wait3A_484] : memref<16384x1024xf32, #tpu.memory_space<hbm>> -> memref<16x1024xf32, #tpu.memory_space<hbm>>
      %dma_wait3A_486 = arith.constant 0 : i32
      %dma_wait3A_487 = arith.constant 0 : i32
      %dma_wait3A_488 = tpu.memref_slice %arg6[%dma_wait3A_474, %dma_wait3A_486, %dma_wait3A_487] : memref<4x16x1024xf32, #tpu.memory_space<vmem>> -> memref<1x16x1024xf32, #tpu.memory_space<vmem>>
      %dma_wait3A_489 = tpu.memref_squeeze %dma_wait3A_488 : memref<1x16x1024xf32, #tpu.memory_space<vmem>> -> memref<16x1024xf32, #tpu.memory_space<vmem>>
      tpu.wait_dma2 semaphore(%dma_wait3A_483 : memref<!tpu.dma_semaphore, #tpu.memory_space<semaphore_mem>>) src(%dma_wait3A_489 : memref<16x1024xf32, #tpu.memory_space<vmem>>) dst(%dma_wait3A_485 : memref<16x1024xf32, #tpu.memory_space<hbm>>)
      %add3A_490 = arith.constant 4 : i32
      %add3A_491 = arith.addi %add3A_436, %add3A_490 : i32
      %mul3A_492 = arith.constant 16 : i32
      %mul3A_493 = arith.muli %add3A_491, %mul3A_492 : i32
      %get3A_494 = arith.index_cast %mul3A_493 : i32 to index
      %get3A_495 = tpu.vector_load %arg5[%get3A_494] {strides = array<i32>} : memref<512xi32, #tpu.memory_space<vmem>>, vector<16xi32>,
      %get3A_496 = vector.shape_cast %get3A_495 : vector<16xi32> to vector<16xi32>
      %max3A_497 = arith.constant 0 : i32
      %max3A_498 = vector.broadcast %max3A_497 : i32 to vector<16xi32>
      %max3A_499 = arith.maxsi %get3A_496, %max3A_498 : vector<16xi32>
      %dma_start3A_500 = arith.constant 2 : i32
      %dma_start3A_501 = arith.constant 2 : i32
      %dma_start3A_502 = arith.constant 0 : i32
      %dma_start3A_503 = arith.constant 0 : i32
      %dma_start3A_504 = tpu.memref_slice %arg6[%dma_start3A_500, %dma_start3A_502, %dma_start3A_503] : memref<4x16x1024xf32, #tpu.memory_space<vmem>> -> memref<1x16x1024xf32, #tpu.memory_space<vmem>>
      %dma_start3A_505 = tpu.memref_squeeze %dma_start3A_504 : memref<1x16x1024xf32, #tpu.memory_space<vmem>> -> memref<16x1024xf32, #tpu.memory_space<vmem>>
      %dma_start3A_506 = arith.constant 0 : i32
      %dma_start3A_507 = arith.constant 0 : i32
      %dma_start3A_508 = tpu.memref_slice %arg3[%dma_start3A_506, %dma_start3A_507] : memref<100000x1024xf32, #tpu.memory_space<hbm>> -> memref<100000x1024xf32, #tpu.memory_space<hbm>>
      %dma_start3A_509 = tpu.memref_slice %arg7[%dma_start3A_501] : memref<4x!tpu.dma_semaphore, #tpu.memory_space<semaphore_mem>> -> memref<1x!tpu.dma_semaphore, #tpu.memory_space<semaphore_mem>>
      %dma_start3A_510 = tpu.memref_squeeze %dma_start3A_509 : memref<1x!tpu.dma_semaphore, #tpu.memory_space<semaphore_mem>> -> memref<!tpu.dma_semaphore, #tpu.memory_space<semaphore_mem>>
      tpu.enqueue_indirect_dma source(%dma_start3A_508 : memref<100000x1024xf32, #tpu.memory_space<hbm>>) target(%dma_start3A_505 : memref<16x1024xf32, #tpu.memory_space<vmem>>) offsets(%max3A_499 : vector<16xi32>) semaphore(%dma_start3A_510 : memref<!tpu.dma_semaphore, #tpu.memory_space<semaphore_mem>>)
      %add3A_511 = arith.constant 3 : i32
      %add3A_512 = arith.addi %mul3A_282, %add3A_511 : i32
      %dma_wait3A_513 = arith.constant 3 : i32
      %dma_wait3A_514 = arith.constant 3 : i32
      %dma_wait3A_515 = arith.constant 0 : i32
      %dma_wait3A_516 = arith.constant 0 : i32
      %dma_wait3A_517 = tpu.memref_slice %arg6[%dma_wait3A_513, %dma_wait3A_515, %dma_wait3A_516] : memref<4x16x1024xf32, #tpu.memory_space<vmem>> -> memref<1x16x1024xf32, #tpu.memory_space<vmem>>
      %dma_wait3A_518 = tpu.memref_squeeze %dma_wait3A_517 : memref<1x16x1024xf32, #tpu.memory_space<vmem>> -> memref<16x1024xf32, #tpu.memory_space<vmem>>
      %dma_wait3A_519 = arith.constant 0 : i32
      %dma_wait3A_520 = arith.constant 0 : i32
      %dma_wait3A_521 = tpu.memref_slice %arg3[%dma_wait3A_519, %dma_wait3A_520] : memref<100000x1024xf32, #tpu.memory_space<hbm>> -> memref<16x1024xf32, #tpu.memory_space<hbm>>
      %dma_wait3A_522 = tpu.memref_slice %arg7[%dma_wait3A_514] : memref<4x!tpu.dma_semaphore, #tpu.memory_space<semaphore_mem>> -> memref<1x!tpu.dma_semaphore, #tpu.memory_space<semaphore_mem>>
      %dma_wait3A_523 = tpu.memref_squeeze %dma_wait3A_522 : memref<1x!tpu.dma_semaphore, #tpu.memory_space<semaphore_mem>> -> memref<!tpu.dma_semaphore, #tpu.memory_space<semaphore_mem>>
      %dma_wait3A_524 = arith.constant 0 : i32
      %dma_wait3A_525 = arith.constant 0 : i32
      %dma_wait3A_526 = tpu.memref_slice %arg6[%dma_wait3A_513, %dma_wait3A_524, %dma_wait3A_525] : memref<4x16x1024xf32, #tpu.memory_space<vmem>> -> memref<1x16x1024xf32, #tpu.memory_space<vmem>>
      %dma_wait3A_527 = tpu.memref_squeeze %dma_wait3A_526 : memref<1x16x1024xf32, #tpu.memory_space<vmem>> -> memref<16x1024xf32, #tpu.memory_space<vmem>>
      %dma_wait3A_528 = arith.constant 0 : i32
      %dma_wait3A_529 = arith.constant 0 : i32
      %dma_wait3A_530 = tpu.memref_slice %arg3[%dma_wait3A_528, %dma_wait3A_529] : memref<100000x1024xf32, #tpu.memory_space<hbm>> -> memref<16x1024xf32, #tpu.memory_space<hbm>>
      tpu.wait_dma2 semaphore(%dma_wait3A_523 : memref<!tpu.dma_semaphore, #tpu.memory_space<semaphore_mem>>) src(%dma_wait3A_530 : memref<16x1024xf32, #tpu.memory_space<hbm>>) dst(%dma_wait3A_527 : memref<16x1024xf32, #tpu.memory_space<vmem>>)
      %mul3A_531 = arith.constant 16 : i32
      %mul3A_532 = arith.muli %add3A_512, %mul3A_531 : i32
      %add3A_533 = arith.addi %mul3A_2, %mul3A_532 : i32
      %dma_start3A_534 = arith.constant 3 : i32
      %dma_start3A_535 = arith.constant 3 : i32
      %dma_start3A_536 = arith.constant 0 : i32
      %dma_start3A_537 = arith.constant 0 : i32
      %dma_start3A_538 = tpu.memref_slice %arg6[%dma_start3A_534, %dma_start3A_536, %dma_start3A_537] : memref<4x16x1024xf32, #tpu.memory_space<vmem>> -> memref<1x16x1024xf32, #tpu.memory_space<vmem>>
      %dma_start3A_539 = tpu.memref_squeeze %dma_start3A_538 : memref<1x16x1024xf32, #tpu.memory_space<vmem>> -> memref<16x1024xf32, #tpu.memory_space<vmem>>
      %dma_start3A_540 = arith.constant 0 : i32
      %dma_start3A_541 = tpu.memref_slice %arg4[%add3A_533, %dma_start3A_540] : memref<16384x1024xf32, #tpu.memory_space<hbm>> -> memref<16x1024xf32, #tpu.memory_space<hbm>>
      %dma_start3A_542 = tpu.memref_slice %arg8[%dma_start3A_535] : memref<4x!tpu.dma_semaphore, #tpu.memory_space<semaphore_mem>> -> memref<1x!tpu.dma_semaphore, #tpu.memory_space<semaphore_mem>>
      %dma_start3A_543 = tpu.memref_squeeze %dma_start3A_542 : memref<1x!tpu.dma_semaphore, #tpu.memory_space<semaphore_mem>> -> memref<!tpu.dma_semaphore, #tpu.memory_space<semaphore_mem>>
      %dma_start3A_544 = arith.constant 0 : i32
      %dma_start3A_545 = tpu.memref_slice %arg4[%add3A_533, %dma_start3A_544] : memref<16384x1024xf32, #tpu.memory_space<hbm>> -> memref<16x1024xf32, #tpu.memory_space<hbm>>
      %dma_start3A_546 = arith.constant 0 : i32
      %dma_start3A_547 = arith.constant 0 : i32
      %dma_start3A_548 = tpu.memref_slice %arg6[%dma_start3A_534, %dma_start3A_546, %dma_start3A_547] : memref<4x16x1024xf32, #tpu.memory_space<vmem>> -> memref<1x16x1024xf32, #tpu.memory_space<vmem>>
      %dma_start3A_549 = tpu.memref_squeeze %dma_start3A_548 : memref<1x16x1024xf32, #tpu.memory_space<vmem>> -> memref<16x1024xf32, #tpu.memory_space<vmem>>
      tpu.enqueue_dma source(%dma_start3A_549 : memref<16x1024xf32, #tpu.memory_space<vmem>>) target(%dma_start3A_545 : memref<16x1024xf32, #tpu.memory_space<hbm>>) target_semaphore(%dma_start3A_543 : memref<!tpu.dma_semaphore, #tpu.memory_space<semaphore_mem>>)
      %dma_wait3A_550 = arith.constant 3 : i32
      %dma_wait3A_551 = arith.constant 3 : i32
      %dma_wait3A_552 = arith.constant 0 : i32
      %dma_wait3A_553 = arith.constant 0 : i32
      %dma_wait3A_554 = tpu.memref_slice %arg6[%dma_wait3A_550, %dma_wait3A_552, %dma_wait3A_553] : memref<4x16x1024xf32, #tpu.memory_space<vmem>> -> memref<1x16x1024xf32, #tpu.memory_space<vmem>>
      %dma_wait3A_555 = tpu.memref_squeeze %dma_wait3A_554 : memref<1x16x1024xf32, #tpu.memory_space<vmem>> -> memref<16x1024xf32, #tpu.memory_space<vmem>>
      %dma_wait3A_556 = arith.constant 0 : i32
      %dma_wait3A_557 = tpu.memref_slice %arg4[%mul3A_2, %dma_wait3A_556] : memref<16384x1024xf32, #tpu.memory_space<hbm>> -> memref<16x1024xf32, #tpu.memory_space<hbm>>
      %dma_wait3A_558 = tpu.memref_slice %arg8[%dma_wait3A_551] : memref<4x!tpu.dma_semaphore, #tpu.memory_space<semaphore_mem>> -> memref<1x!tpu.dma_semaphore, #tpu.memory_space<semaphore_mem>>
      %dma_wait3A_559 = tpu.memref_squeeze %dma_wait3A_558 : memref<1x!tpu.dma_semaphore, #tpu.memory_space<semaphore_mem>> -> memref<!tpu.dma_semaphore, #tpu.memory_space<semaphore_mem>>
      %dma_wait3A_560 = arith.constant 0 : i32
      %dma_wait3A_561 = tpu.memref_slice %arg4[%mul3A_2, %dma_wait3A_560] : memref<16384x1024xf32, #tpu.memory_space<hbm>> -> memref<16x1024xf32, #tpu.memory_space<hbm>>
      %dma_wait3A_562 = arith.constant 0 : i32
      %dma_wait3A_563 = arith.constant 0 : i32
      %dma_wait3A_564 = tpu.memref_slice %arg6[%dma_wait3A_550, %dma_wait3A_562, %dma_wait3A_563] : memref<4x16x1024xf32, #tpu.memory_space<vmem>> -> memref<1x16x1024xf32, #tpu.memory_space<vmem>>
      %dma_wait3A_565 = tpu.memref_squeeze %dma_wait3A_564 : memref<1x16x1024xf32, #tpu.memory_space<vmem>> -> memref<16x1024xf32, #tpu.memory_space<vmem>>
      tpu.wait_dma2 semaphore(%dma_wait3A_559 : memref<!tpu.dma_semaphore, #tpu.memory_space<semaphore_mem>>) src(%dma_wait3A_565 : memref<16x1024xf32, #tpu.memory_space<vmem>>) dst(%dma_wait3A_561 : memref<16x1024xf32, #tpu.memory_space<hbm>>)
      %add3A_566 = arith.constant 4 : i32
      %add3A_567 = arith.addi %add3A_512, %add3A_566 : i32
      %mul3A_568 = arith.constant 16 : i32
      %mul3A_569 = arith.muli %add3A_567, %mul3A_568 : i32
      %get3A_570 = arith.index_cast %mul3A_569 : i32 to index
      %get3A_571 = tpu.vector_load %arg5[%get3A_570] {strides = array<i32>} : memref<512xi32, #tpu.memory_space<vmem>>, vector<16xi32>,
      %get3A_572 = vector.shape_cast %get3A_571 : vector<16xi32> to vector<16xi32>
      %max3A_573 = arith.constant 0 : i32
      %max3A_574 = vector.broadcast %max3A_573 : i32 to vector<16xi32>
      %max3A_575 = arith.maxsi %get3A_572, %max3A_574 : vector<16xi32>
      %dma_start3A_576 = arith.constant 3 : i32
      %dma_start3A_577 = arith.constant 3 : i32
      %dma_start3A_578 = arith.constant 0 : i32
      %dma_start3A_579 = arith.constant 0 : i32
      %dma_start3A_580 = tpu.memref_slice %arg6[%dma_start3A_576, %dma_start3A_578, %dma_start3A_579] : memref<4x16x1024xf32, #tpu.memory_space<vmem>> -> memref<1x16x1024xf32, #tpu.memory_space<vmem>>
      %dma_start3A_581 = tpu.memref_squeeze %dma_start3A_580 : memref<1x16x1024xf32, #tpu.memory_space<vmem>> -> memref<16x1024xf32, #tpu.memory_space<vmem>>
      %dma_start3A_582 = arith.constant 0 : i32
      %dma_start3A_583 = arith.constant 0 : i32
      %dma_start3A_584 = tpu.memref_slice %arg3[%dma_start3A_582, %dma_start3A_583] : memref<100000x1024xf32, #tpu.memory_space<hbm>> -> memref<100000x1024xf32, #tpu.memory_space<hbm>>
      %dma_start3A_585 = tpu.memref_slice %arg7[%dma_start3A_577] : memref<4x!tpu.dma_semaphore, #tpu.memory_space<semaphore_mem>> -> memref<1x!tpu.dma_semaphore, #tpu.memory_space<semaphore_mem>>
      %dma_start3A_586 = tpu.memref_squeeze %dma_start3A_585 : memref<1x!tpu.dma_semaphore, #tpu.memory_space<semaphore_mem>> -> memref<!tpu.dma_semaphore, #tpu.memory_space<semaphore_mem>>
      tpu.enqueue_indirect_dma source(%dma_start3A_584 : memref<100000x1024xf32, #tpu.memory_space<hbm>>) target(%dma_start3A_581 : memref<16x1024xf32, #tpu.memory_space<vmem>>) offsets(%max3A_575 : vector<16xi32>) semaphore(%dma_start3A_586 : memref<!tpu.dma_semaphore, #tpu.memory_space<semaphore_mem>>)
    }
    %scan3A_72 = arith.constant 7 : i32
    %dma_wait3A = arith.constant 0 : i32
    %dma_wait3A_73 = arith.constant 0 : i32
    %dma_wait3A_74 = arith.constant 0 : i32
    %dma_wait3A_75 = arith.constant 0 : i32
    %dma_wait3A_76 = tpu.memref_slice %arg6[%dma_wait3A, %dma_wait3A_74, %dma_wait3A_75] : memref<4x16x1024xf32, #tpu.memory_space<vmem>> -> memref<1x16x1024xf32, #tpu.memory_space<vmem>>
    %dma_wait3A_77 = tpu.memref_squeeze %dma_wait3A_76 : memref<1x16x1024xf32, #tpu.memory_space<vmem>> -> memref<16x1024xf32, #tpu.memory_space<vmem>>
    %dma_wait3A_78 = arith.constant 0 : i32
    %dma_wait3A_79 = arith.constant 0 : i32
    %dma_wait3A_80 = tpu.memref_slice %arg3[%dma_wait3A_78, %dma_wait3A_79] : memref<100000x1024xf32, #tpu.memory_space<hbm>> -> memref<16x1024xf32, #tpu.memory_space<hbm>>
    %dma_wait3A_81 = tpu.memref_slice %arg7[%dma_wait3A_73] : memref<4x!tpu.dma_semaphore, #tpu.memory_space<semaphore_mem>> -> memref<1x!tpu.dma_semaphore, #tpu.memory_space<semaphore_mem>>
    %dma_wait3A_82 = tpu.memref_squeeze %dma_wait3A_81 : memref<1x!tpu.dma_semaphore, #tpu.memory_space<semaphore_mem>> -> memref<!tpu.dma_semaphore, #tpu.memory_space<semaphore_mem>>
    %dma_wait3A_83 = arith.constant 0 : i32
    %dma_wait3A_84 = arith.constant 0 : i32
    %dma_wait3A_85 = tpu.memref_slice %arg6[%dma_wait3A, %dma_wait3A_83, %dma_wait3A_84] : memref<4x16x1024xf32, #tpu.memory_space<vmem>> -> memref<1x16x1024xf32, #tpu.memory_space<vmem>>
    %dma_wait3A_86 = tpu.memref_squeeze %dma_wait3A_85 : memref<1x16x1024xf32, #tpu.memory_space<vmem>> -> memref<16x1024xf32, #tpu.memory_space<vmem>>
    %dma_wait3A_87 = arith.constant 0 : i32
    %dma_wait3A_88 = arith.constant 0 : i32
    %dma_wait3A_89 = tpu.memref_slice %arg3[%dma_wait3A_87, %dma_wait3A_88] : memref<100000x1024xf32, #tpu.memory_space<hbm>> -> memref<16x1024xf32, #tpu.memory_space<hbm>>
    tpu.wait_dma2 semaphore(%dma_wait3A_82 : memref<!tpu.dma_semaphore, #tpu.memory_space<semaphore_mem>>) src(%dma_wait3A_89 : memref<16x1024xf32, #tpu.memory_space<hbm>>) dst(%dma_wait3A_86 : memref<16x1024xf32, #tpu.memory_space<vmem>>)
    %add3A_90 = arith.constant 448 : i32
    %add3A_91 = arith.addi %mul3A_2, %add3A_90 : i32
    %dma_start3A_92 = arith.constant 0 : i32
    %dma_start3A_93 = arith.constant 0 : i32
    %dma_start3A_94 = arith.constant 0 : i32
    %dma_start3A_95 = arith.constant 0 : i32
    %dma_start3A_96 = tpu.memref_slice %arg6[%dma_start3A_92, %dma_start3A_94, %dma_start3A_95] : memref<4x16x1024xf32, #tpu.memory_space<vmem>> -> memref<1x16x1024xf32, #tpu.memory_space<vmem>>
    %dma_start3A_97 = tpu.memref_squeeze %dma_start3A_96 : memref<1x16x1024xf32, #tpu.memory_space<vmem>> -> memref<16x1024xf32, #tpu.memory_space<vmem>>
    %dma_start3A_98 = arith.constant 0 : i32
    %dma_start3A_99 = tpu.memref_slice %arg4[%add3A_91, %dma_start3A_98] : memref<16384x1024xf32, #tpu.memory_space<hbm>> -> memref<16x1024xf32, #tpu.memory_space<hbm>>
    %dma_start3A_100 = tpu.memref_slice %arg8[%dma_start3A_93] : memref<4x!tpu.dma_semaphore, #tpu.memory_space<semaphore_mem>> -> memref<1x!tpu.dma_semaphore, #tpu.memory_space<semaphore_mem>>
    %dma_start3A_101 = tpu.memref_squeeze %dma_start3A_100 : memref<1x!tpu.dma_semaphore, #tpu.memory_space<semaphore_mem>> -> memref<!tpu.dma_semaphore, #tpu.memory_space<semaphore_mem>>
    %dma_start3A_102 = arith.constant 0 : i32
    %dma_start3A_103 = tpu.memref_slice %arg4[%add3A_91, %dma_start3A_102] : memref<16384x1024xf32, #tpu.memory_space<hbm>> -> memref<16x1024xf32, #tpu.memory_space<hbm>>
    %dma_start3A_104 = arith.constant 0 : i32
    %dma_start3A_105 = arith.constant 0 : i32
    %dma_start3A_106 = tpu.memref_slice %arg6[%dma_start3A_92, %dma_start3A_104, %dma_start3A_105] : memref<4x16x1024xf32, #tpu.memory_space<vmem>> -> memref<1x16x1024xf32, #tpu.memory_space<vmem>>
    %dma_start3A_107 = tpu.memref_squeeze %dma_start3A_106 : memref<1x16x1024xf32, #tpu.memory_space<vmem>> -> memref<16x1024xf32, #tpu.memory_space<vmem>>
    tpu.enqueue_dma source(%dma_start3A_107 : memref<16x1024xf32, #tpu.memory_space<vmem>>) target(%dma_start3A_103 : memref<16x1024xf32, #tpu.memory_space<hbm>>) target_semaphore(%dma_start3A_101 : memref<!tpu.dma_semaphore, #tpu.memory_space<semaphore_mem>>)
    %dma_wait3A_108 = arith.constant 1 : i32
    %dma_wait3A_109 = arith.constant 1 : i32
    %dma_wait3A_110 = arith.constant 0 : i32
    %dma_wait3A_111 = arith.constant 0 : i32
    %dma_wait3A_112 = tpu.memref_slice %arg6[%dma_wait3A_108, %dma_wait3A_110, %dma_wait3A_111] : memref<4x16x1024xf32, #tpu.memory_space<vmem>> -> memref<1x16x1024xf32, #tpu.memory_space<vmem>>
    %dma_wait3A_113 = tpu.memref_squeeze %dma_wait3A_112 : memref<1x16x1024xf32, #tpu.memory_space<vmem>> -> memref<16x1024xf32, #tpu.memory_space<vmem>>
    %dma_wait3A_114 = arith.constant 0 : i32
    %dma_wait3A_115 = arith.constant 0 : i32
    %dma_wait3A_116 = tpu.memref_slice %arg3[%dma_wait3A_114, %dma_wait3A_115] : memref<100000x1024xf32, #tpu.memory_space<hbm>> -> memref<16x1024xf32, #tpu.memory_space<hbm>>
    %dma_wait3A_117 = tpu.memref_slice %arg7[%dma_wait3A_109] : memref<4x!tpu.dma_semaphore, #tpu.memory_space<semaphore_mem>> -> memref<1x!tpu.dma_semaphore, #tpu.memory_space<semaphore_mem>>
    %dma_wait3A_118 = tpu.memref_squeeze %dma_wait3A_117 : memref<1x!tpu.dma_semaphore, #tpu.memory_space<semaphore_mem>> -> memref<!tpu.dma_semaphore, #tpu.memory_space<semaphore_mem>>
    %dma_wait3A_119 = arith.constant 0 : i32
    %dma_wait3A_120 = arith.constant 0 : i32
    %dma_wait3A_121 = tpu.memref_slice %arg6[%dma_wait3A_108, %dma_wait3A_119, %dma_wait3A_120] : memref<4x16x1024xf32, #tpu.memory_space<vmem>> -> memref<1x16x1024xf32, #tpu.memory_space<vmem>>
    %dma_wait3A_122 = tpu.memref_squeeze %dma_wait3A_121 : memref<1x16x1024xf32, #tpu.memory_space<vmem>> -> memref<16x1024xf32, #tpu.memory_space<vmem>>
    %dma_wait3A_123 = arith.constant 0 : i32
    %dma_wait3A_124 = arith.constant 0 : i32
    %dma_wait3A_125 = tpu.memref_slice %arg3[%dma_wait3A_123, %dma_wait3A_124] : memref<100000x1024xf32, #tpu.memory_space<hbm>> -> memref<16x1024xf32, #tpu.memory_space<hbm>>
    tpu.wait_dma2 semaphore(%dma_wait3A_118 : memref<!tpu.dma_semaphore, #tpu.memory_space<semaphore_mem>>) src(%dma_wait3A_125 : memref<16x1024xf32, #tpu.memory_space<hbm>>) dst(%dma_wait3A_122 : memref<16x1024xf32, #tpu.memory_space<vmem>>)
    %add3A_126 = arith.constant 464 : i32
    %add3A_127 = arith.addi %mul3A_2, %add3A_126 : i32
    %dma_start3A_128 = arith.constant 1 : i32
    %dma_start3A_129 = arith.constant 1 : i32
    %dma_start3A_130 = arith.constant 0 : i32
    %dma_start3A_131 = arith.constant 0 : i32
    %dma_start3A_132 = tpu.memref_slice %arg6[%dma_start3A_128, %dma_start3A_130, %dma_start3A_131] : memref<4x16x1024xf32, #tpu.memory_space<vmem>> -> memref<1x16x1024xf32, #tpu.memory_space<vmem>>
    %dma_start3A_133 = tpu.memref_squeeze %dma_start3A_132 : memref<1x16x1024xf32, #tpu.memory_space<vmem>> -> memref<16x1024xf32, #tpu.memory_space<vmem>>
    %dma_start3A_134 = arith.constant 0 : i32
    %dma_start3A_135 = tpu.memref_slice %arg4[%add3A_127, %dma_start3A_134] : memref<16384x1024xf32, #tpu.memory_space<hbm>> -> memref<16x1024xf32, #tpu.memory_space<hbm>>
    %dma_start3A_136 = tpu.memref_slice %arg8[%dma_start3A_129] : memref<4x!tpu.dma_semaphore, #tpu.memory_space<semaphore_mem>> -> memref<1x!tpu.dma_semaphore, #tpu.memory_space<semaphore_mem>>
    %dma_start3A_137 = tpu.memref_squeeze %dma_start3A_136 : memref<1x!tpu.dma_semaphore, #tpu.memory_space<semaphore_mem>> -> memref<!tpu.dma_semaphore, #tpu.memory_space<semaphore_mem>>
    %dma_start3A_138 = arith.constant 0 : i32
    %dma_start3A_139 = tpu.memref_slice %arg4[%add3A_127, %dma_start3A_138] : memref<16384x1024xf32, #tpu.memory_space<hbm>> -> memref<16x1024xf32, #tpu.memory_space<hbm>>
    %dma_start3A_140 = arith.constant 0 : i32
    %dma_start3A_141 = arith.constant 0 : i32
    %dma_start3A_142 = tpu.memref_slice %arg6[%dma_start3A_128, %dma_start3A_140, %dma_start3A_141] : memref<4x16x1024xf32, #tpu.memory_space<vmem>> -> memref<1x16x1024xf32, #tpu.memory_space<vmem>>
    %dma_start3A_143 = tpu.memref_squeeze %dma_start3A_142 : memref<1x16x1024xf32, #tpu.memory_space<vmem>> -> memref<16x1024xf32, #tpu.memory_space<vmem>>
    tpu.enqueue_dma source(%dma_start3A_143 : memref<16x1024xf32, #tpu.memory_space<vmem>>) target(%dma_start3A_139 : memref<16x1024xf32, #tpu.memory_space<hbm>>) target_semaphore(%dma_start3A_137 : memref<!tpu.dma_semaphore, #tpu.memory_space<semaphore_mem>>)
    %dma_wait3A_144 = arith.constant 2 : i32
    %dma_wait3A_145 = arith.constant 2 : i32
    %dma_wait3A_146 = arith.constant 0 : i32
    %dma_wait3A_147 = arith.constant 0 : i32
    %dma_wait3A_148 = tpu.memref_slice %arg6[%dma_wait3A_144, %dma_wait3A_146, %dma_wait3A_147] : memref<4x16x1024xf32, #tpu.memory_space<vmem>> -> memref<1x16x1024xf32, #tpu.memory_space<vmem>>
    %dma_wait3A_149 = tpu.memref_squeeze %dma_wait3A_148 : memref<1x16x1024xf32, #tpu.memory_space<vmem>> -> memref<16x1024xf32, #tpu.memory_space<vmem>>
    %dma_wait3A_150 = arith.constant 0 : i32
    %dma_wait3A_151 = arith.constant 0 : i32
    %dma_wait3A_152 = tpu.memref_slice %arg3[%dma_wait3A_150, %dma_wait3A_151] : memref<100000x1024xf32, #tpu.memory_space<hbm>> -> memref<16x1024xf32, #tpu.memory_space<hbm>>
    %dma_wait3A_153 = tpu.memref_slice %arg7[%dma_wait3A_145] : memref<4x!tpu.dma_semaphore, #tpu.memory_space<semaphore_mem>> -> memref<1x!tpu.dma_semaphore, #tpu.memory_space<semaphore_mem>>
    %dma_wait3A_154 = tpu.memref_squeeze %dma_wait3A_153 : memref<1x!tpu.dma_semaphore, #tpu.memory_space<semaphore_mem>> -> memref<!tpu.dma_semaphore, #tpu.memory_space<semaphore_mem>>
    %dma_wait3A_155 = arith.constant 0 : i32
    %dma_wait3A_156 = arith.constant 0 : i32
    %dma_wait3A_157 = tpu.memref_slice %arg6[%dma_wait3A_144, %dma_wait3A_155, %dma_wait3A_156] : memref<4x16x1024xf32, #tpu.memory_space<vmem>> -> memref<1x16x1024xf32, #tpu.memory_space<vmem>>
    %dma_wait3A_158 = tpu.memref_squeeze %dma_wait3A_157 : memref<1x16x1024xf32, #tpu.memory_space<vmem>> -> memref<16x1024xf32, #tpu.memory_space<vmem>>
    %dma_wait3A_159 = arith.constant 0 : i32
    %dma_wait3A_160 = arith.constant 0 : i32
    %dma_wait3A_161 = tpu.memref_slice %arg3[%dma_wait3A_159, %dma_wait3A_160] : memref<100000x1024xf32, #tpu.memory_space<hbm>> -> memref<16x1024xf32, #tpu.memory_space<hbm>>
    tpu.wait_dma2 semaphore(%dma_wait3A_154 : memref<!tpu.dma_semaphore, #tpu.memory_space<semaphore_mem>>) src(%dma_wait3A_161 : memref<16x1024xf32, #tpu.memory_space<hbm>>) dst(%dma_wait3A_158 : memref<16x1024xf32, #tpu.memory_space<vmem>>)
    %add3A_162 = arith.constant 480 : i32
    %add3A_163 = arith.addi %mul3A_2, %add3A_162 : i32
    %dma_start3A_164 = arith.constant 2 : i32
    %dma_start3A_165 = arith.constant 2 : i32
    %dma_start3A_166 = arith.constant 0 : i32
    %dma_start3A_167 = arith.constant 0 : i32
    %dma_start3A_168 = tpu.memref_slice %arg6[%dma_start3A_164, %dma_start3A_166, %dma_start3A_167] : memref<4x16x1024xf32, #tpu.memory_space<vmem>> -> memref<1x16x1024xf32, #tpu.memory_space<vmem>>
    %dma_start3A_169 = tpu.memref_squeeze %dma_start3A_168 : memref<1x16x1024xf32, #tpu.memory_space<vmem>> -> memref<16x1024xf32, #tpu.memory_space<vmem>>
    %dma_start3A_170 = arith.constant 0 : i32
    %dma_start3A_171 = tpu.memref_slice %arg4[%add3A_163, %dma_start3A_170] : memref<16384x1024xf32, #tpu.memory_space<hbm>> -> memref<16x1024xf32, #tpu.memory_space<hbm>>
    %dma_start3A_172 = tpu.memref_slice %arg8[%dma_start3A_165] : memref<4x!tpu.dma_semaphore, #tpu.memory_space<semaphore_mem>> -> memref<1x!tpu.dma_semaphore, #tpu.memory_space<semaphore_mem>>
    %dma_start3A_173 = tpu.memref_squeeze %dma_start3A_172 : memref<1x!tpu.dma_semaphore, #tpu.memory_space<semaphore_mem>> -> memref<!tpu.dma_semaphore, #tpu.memory_space<semaphore_mem>>
    %dma_start3A_174 = arith.constant 0 : i32
    %dma_start3A_175 = tpu.memref_slice %arg4[%add3A_163, %dma_start3A_174] : memref<16384x1024xf32, #tpu.memory_space<hbm>> -> memref<16x1024xf32, #tpu.memory_space<hbm>>
    %dma_start3A_176 = arith.constant 0 : i32
    %dma_start3A_177 = arith.constant 0 : i32
    %dma_start3A_178 = tpu.memref_slice %arg6[%dma_start3A_164, %dma_start3A_176, %dma_start3A_177] : memref<4x16x1024xf32, #tpu.memory_space<vmem>> -> memref<1x16x1024xf32, #tpu.memory_space<vmem>>
    %dma_start3A_179 = tpu.memref_squeeze %dma_start3A_178 : memref<1x16x1024xf32, #tpu.memory_space<vmem>> -> memref<16x1024xf32, #tpu.memory_space<vmem>>
    tpu.enqueue_dma source(%dma_start3A_179 : memref<16x1024xf32, #tpu.memory_space<vmem>>) target(%dma_start3A_175 : memref<16x1024xf32, #tpu.memory_space<hbm>>) target_semaphore(%dma_start3A_173 : memref<!tpu.dma_semaphore, #tpu.memory_space<semaphore_mem>>)
    %dma_wait3A_180 = arith.constant 3 : i32
    %dma_wait3A_181 = arith.constant 3 : i32
    %dma_wait3A_182 = arith.constant 0 : i32
    %dma_wait3A_183 = arith.constant 0 : i32
    %dma_wait3A_184 = tpu.memref_slice %arg6[%dma_wait3A_180, %dma_wait3A_182, %dma_wait3A_183] : memref<4x16x1024xf32, #tpu.memory_space<vmem>> -> memref<1x16x1024xf32, #tpu.memory_space<vmem>>
    %dma_wait3A_185 = tpu.memref_squeeze %dma_wait3A_184 : memref<1x16x1024xf32, #tpu.memory_space<vmem>> -> memref<16x1024xf32, #tpu.memory_space<vmem>>
    %dma_wait3A_186 = arith.constant 0 : i32
    %dma_wait3A_187 = arith.constant 0 : i32
    %dma_wait3A_188 = tpu.memref_slice %arg3[%dma_wait3A_186, %dma_wait3A_187] : memref<100000x1024xf32, #tpu.memory_space<hbm>> -> memref<16x1024xf32, #tpu.memory_space<hbm>>
    %dma_wait3A_189 = tpu.memref_slice %arg7[%dma_wait3A_181] : memref<4x!tpu.dma_semaphore, #tpu.memory_space<semaphore_mem>> -> memref<1x!tpu.dma_semaphore, #tpu.memory_space<semaphore_mem>>
    %dma_wait3A_190 = tpu.memref_squeeze %dma_wait3A_189 : memref<1x!tpu.dma_semaphore, #tpu.memory_space<semaphore_mem>> -> memref<!tpu.dma_semaphore, #tpu.memory_space<semaphore_mem>>
    %dma_wait3A_191 = arith.constant 0 : i32
    %dma_wait3A_192 = arith.constant 0 : i32
    %dma_wait3A_193 = tpu.memref_slice %arg6[%dma_wait3A_180, %dma_wait3A_191, %dma_wait3A_192] : memref<4x16x1024xf32, #tpu.memory_space<vmem>> -> memref<1x16x1024xf32, #tpu.memory_space<vmem>>
    %dma_wait3A_194 = tpu.memref_squeeze %dma_wait3A_193 : memref<1x16x1024xf32, #tpu.memory_space<vmem>> -> memref<16x1024xf32, #tpu.memory_space<vmem>>
    %dma_wait3A_195 = arith.constant 0 : i32
    %dma_wait3A_196 = arith.constant 0 : i32
    %dma_wait3A_197 = tpu.memref_slice %arg3[%dma_wait3A_195, %dma_wait3A_196] : memref<100000x1024xf32, #tpu.memory_space<hbm>> -> memref<16x1024xf32, #tpu.memory_space<hbm>>
    tpu.wait_dma2 semaphore(%dma_wait3A_190 : memref<!tpu.dma_semaphore, #tpu.memory_space<semaphore_mem>>) src(%dma_wait3A_197 : memref<16x1024xf32, #tpu.memory_space<hbm>>) dst(%dma_wait3A_194 : memref<16x1024xf32, #tpu.memory_space<vmem>>)
    %add3A_198 = arith.constant 496 : i32
    %add3A_199 = arith.addi %mul3A_2, %add3A_198 : i32
    %dma_start3A_200 = arith.constant 3 : i32
    %dma_start3A_201 = arith.constant 3 : i32
    %dma_start3A_202 = arith.constant 0 : i32
    %dma_start3A_203 = arith.constant 0 : i32
    %dma_start3A_204 = tpu.memref_slice %arg6[%dma_start3A_200, %dma_start3A_202, %dma_start3A_203] : memref<4x16x1024xf32, #tpu.memory_space<vmem>> -> memref<1x16x1024xf32, #tpu.memory_space<vmem>>
    %dma_start3A_205 = tpu.memref_squeeze %dma_start3A_204 : memref<1x16x1024xf32, #tpu.memory_space<vmem>> -> memref<16x1024xf32, #tpu.memory_space<vmem>>
    %dma_start3A_206 = arith.constant 0 : i32
    %dma_start3A_207 = tpu.memref_slice %arg4[%add3A_199, %dma_start3A_206] : memref<16384x1024xf32, #tpu.memory_space<hbm>> -> memref<16x1024xf32, #tpu.memory_space<hbm>>
    %dma_start3A_208 = tpu.memref_slice %arg8[%dma_start3A_201] : memref<4x!tpu.dma_semaphore, #tpu.memory_space<semaphore_mem>> -> memref<1x!tpu.dma_semaphore, #tpu.memory_space<semaphore_mem>>
    %dma_start3A_209 = tpu.memref_squeeze %dma_start3A_208 : memref<1x!tpu.dma_semaphore, #tpu.memory_space<semaphore_mem>> -> memref<!tpu.dma_semaphore, #tpu.memory_space<semaphore_mem>>
    %dma_start3A_210 = arith.constant 0 : i32
    %dma_start3A_211 = tpu.memref_slice %arg4[%add3A_199, %dma_start3A_210] : memref<16384x1024xf32, #tpu.memory_space<hbm>> -> memref<16x1024xf32, #tpu.memory_space<hbm>>
    %dma_start3A_212 = arith.constant 0 : i32
    %dma_start3A_213 = arith.constant 0 : i32
    %dma_start3A_214 = tpu.memref_slice %arg6[%dma_start3A_200, %dma_start3A_212, %dma_start3A_213] : memref<4x16x1024xf32, #tpu.memory_space<vmem>> -> memref<1x16x1024xf32, #tpu.memory_space<vmem>>
    %dma_start3A_215 = tpu.memref_squeeze %dma_start3A_214 : memref<1x16x1024xf32, #tpu.memory_space<vmem>> -> memref<16x1024xf32, #tpu.memory_space<vmem>>
    tpu.enqueue_dma source(%dma_start3A_215 : memref<16x1024xf32, #tpu.memory_space<vmem>>) target(%dma_start3A_211 : memref<16x1024xf32, #tpu.memory_space<hbm>>) target_semaphore(%dma_start3A_209 : memref<!tpu.dma_semaphore, #tpu.memory_space<semaphore_mem>>)
    %dma_wait3A_216 = arith.constant 0 : i32
    %dma_wait3A_217 = arith.constant 0 : i32
    %dma_wait3A_218 = arith.constant 0 : i32
    %dma_wait3A_219 = arith.constant 0 : i32
    %dma_wait3A_220 = tpu.memref_slice %arg6[%dma_wait3A_216, %dma_wait3A_218, %dma_wait3A_219] : memref<4x16x1024xf32, #tpu.memory_space<vmem>> -> memref<1x16x1024xf32, #tpu.memory_space<vmem>>
    %dma_wait3A_221 = tpu.memref_squeeze %dma_wait3A_220 : memref<1x16x1024xf32, #tpu.memory_space<vmem>> -> memref<16x1024xf32, #tpu.memory_space<vmem>>
    %dma_wait3A_222 = arith.constant 0 : i32
    %dma_wait3A_223 = tpu.memref_slice %arg4[%mul3A_2, %dma_wait3A_222] : memref<16384x1024xf32, #tpu.memory_space<hbm>> -> memref<16x1024xf32, #tpu.memory_space<hbm>>
    %dma_wait3A_224 = tpu.memref_slice %arg8[%dma_wait3A_217] : memref<4x!tpu.dma_semaphore, #tpu.memory_space<semaphore_mem>> -> memref<1x!tpu.dma_semaphore, #tpu.memory_space<semaphore_mem>>
    %dma_wait3A_225 = tpu.memref_squeeze %dma_wait3A_224 : memref<1x!tpu.dma_semaphore, #tpu.memory_space<semaphore_mem>> -> memref<!tpu.dma_semaphore, #tpu.memory_space<semaphore_mem>>
    %dma_wait3A_226 = arith.constant 0 : i32
    %dma_wait3A_227 = tpu.memref_slice %arg4[%mul3A_2, %dma_wait3A_226] : memref<16384x1024xf32, #tpu.memory_space<hbm>> -> memref<16x1024xf32, #tpu.memory_space<hbm>>
    %dma_wait3A_228 = arith.constant 0 : i32
    %dma_wait3A_229 = arith.constant 0 : i32
    %dma_wait3A_230 = tpu.memref_slice %arg6[%dma_wait3A_216, %dma_wait3A_228, %dma_wait3A_229] : memref<4x16x1024xf32, #tpu.memory_space<vmem>> -> memref<1x16x1024xf32, #tpu.memory_space<vmem>>
    %dma_wait3A_231 = tpu.memref_squeeze %dma_wait3A_230 : memref<1x16x1024xf32, #tpu.memory_space<vmem>> -> memref<16x1024xf32, #tpu.memory_space<vmem>>
    tpu.wait_dma2 semaphore(%dma_wait3A_225 : memref<!tpu.dma_semaphore, #tpu.memory_space<semaphore_mem>>) src(%dma_wait3A_231 : memref<16x1024xf32, #tpu.memory_space<vmem>>) dst(%dma_wait3A_227 : memref<16x1024xf32, #tpu.memory_space<hbm>>)
    %dma_wait3A_232 = arith.constant 1 : i32
    %dma_wait3A_233 = arith.constant 1 : i32
    %dma_wait3A_234 = arith.constant 0 : i32
    %dma_wait3A_235 = arith.constant 0 : i32
    %dma_wait3A_236 = tpu.memref_slice %arg6[%dma_wait3A_232, %dma_wait3A_234, %dma_wait3A_235] : memref<4x16x1024xf32, #tpu.memory_space<vmem>> -> memref<1x16x1024xf32, #tpu.memory_space<vmem>>
    %dma_wait3A_237 = tpu.memref_squeeze %dma_wait3A_236 : memref<1x16x1024xf32, #tpu.memory_space<vmem>> -> memref<16x1024xf32, #tpu.memory_space<vmem>>
    %dma_wait3A_238 = arith.constant 0 : i32
    %dma_wait3A_239 = tpu.memref_slice %arg4[%mul3A_2, %dma_wait3A_238] : memref<16384x1024xf32, #tpu.memory_space<hbm>> -> memref<16x1024xf32, #tpu.memory_space<hbm>>
    %dma_wait3A_240 = tpu.memref_slice %arg8[%dma_wait3A_233] : memref<4x!tpu.dma_semaphore, #tpu.memory_space<semaphore_mem>> -> memref<1x!tpu.dma_semaphore, #tpu.memory_space<semaphore_mem>>
    %dma_wait3A_241 = tpu.memref_squeeze %dma_wait3A_240 : memref<1x!tpu.dma_semaphore, #tpu.memory_space<semaphore_mem>> -> memref<!tpu.dma_semaphore, #tpu.memory_space<semaphore_mem>>
    %dma_wait3A_242 = arith.constant 0 : i32
    %dma_wait3A_243 = tpu.memref_slice %arg4[%mul3A_2, %dma_wait3A_242] : memref<16384x1024xf32, #tpu.memory_space<hbm>> -> memref<16x1024xf32, #tpu.memory_space<hbm>>
    %dma_wait3A_244 = arith.constant 0 : i32
    %dma_wait3A_245 = arith.constant 0 : i32
    %dma_wait3A_246 = tpu.memref_slice %arg6[%dma_wait3A_232, %dma_wait3A_244, %dma_wait3A_245] : memref<4x16x1024xf32, #tpu.memory_space<vmem>> -> memref<1x16x1024xf32, #tpu.memory_space<vmem>>
    %dma_wait3A_247 = tpu.memref_squeeze %dma_wait3A_246 : memref<1x16x1024xf32, #tpu.memory_space<vmem>> -> memref<16x1024xf32, #tpu.memory_space<vmem>>
    tpu.wait_dma2 semaphore(%dma_wait3A_241 : memref<!tpu.dma_semaphore, #tpu.memory_space<semaphore_mem>>) src(%dma_wait3A_247 : memref<16x1024xf32, #tpu.memory_space<vmem>>) dst(%dma_wait3A_243 : memref<16x1024xf32, #tpu.memory_space<hbm>>)
    %dma_wait3A_248 = arith.constant 2 : i32
    %dma_wait3A_249 = arith.constant 2 : i32
    %dma_wait3A_250 = arith.constant 0 : i32
    %dma_wait3A_251 = arith.constant 0 : i32
    %dma_wait3A_252 = tpu.memref_slice %arg6[%dma_wait3A_248, %dma_wait3A_250, %dma_wait3A_251] : memref<4x16x1024xf32, #tpu.memory_space<vmem>> -> memref<1x16x1024xf32, #tpu.memory_space<vmem>>
    %dma_wait3A_253 = tpu.memref_squeeze %dma_wait3A_252 : memref<1x16x1024xf32, #tpu.memory_space<vmem>> -> memref<16x1024xf32, #tpu.memory_space<vmem>>
    %dma_wait3A_254 = arith.constant 0 : i32
    %dma_wait3A_255 = tpu.memref_slice %arg4[%mul3A_2, %dma_wait3A_254] : memref<16384x1024xf32, #tpu.memory_space<hbm>> -> memref<16x1024xf32, #tpu.memory_space<hbm>>
    %dma_wait3A_256 = tpu.memref_slice %arg8[%dma_wait3A_249] : memref<4x!tpu.dma_semaphore, #tpu.memory_space<semaphore_mem>> -> memref<1x!tpu.dma_semaphore, #tpu.memory_space<semaphore_mem>>
    %dma_wait3A_257 = tpu.memref_squeeze %dma_wait3A_256 : memref<1x!tpu.dma_semaphore, #tpu.memory_space<semaphore_mem>> -> memref<!tpu.dma_semaphore, #tpu.memory_space<semaphore_mem>>
    %dma_wait3A_258 = arith.constant 0 : i32
    %dma_wait3A_259 = tpu.memref_slice %arg4[%mul3A_2, %dma_wait3A_258] : memref<16384x1024xf32, #tpu.memory_space<hbm>> -> memref<16x1024xf32, #tpu.memory_space<hbm>>
    %dma_wait3A_260 = arith.constant 0 : i32
    %dma_wait3A_261 = arith.constant 0 : i32
    %dma_wait3A_262 = tpu.memref_slice %arg6[%dma_wait3A_248, %dma_wait3A_260, %dma_wait3A_261] : memref<4x16x1024xf32, #tpu.memory_space<vmem>> -> memref<1x16x1024xf32, #tpu.memory_space<vmem>>
    %dma_wait3A_263 = tpu.memref_squeeze %dma_wait3A_262 : memref<1x16x1024xf32, #tpu.memory_space<vmem>> -> memref<16x1024xf32, #tpu.memory_space<vmem>>
    tpu.wait_dma2 semaphore(%dma_wait3A_257 : memref<!tpu.dma_semaphore, #tpu.memory_space<semaphore_mem>>) src(%dma_wait3A_263 : memref<16x1024xf32, #tpu.memory_space<vmem>>) dst(%dma_wait3A_259 : memref<16x1024xf32, #tpu.memory_space<hbm>>)
    %dma_wait3A_264 = arith.constant 3 : i32
    %dma_wait3A_265 = arith.constant 3 : i32
    %dma_wait3A_266 = arith.constant 0 : i32
    %dma_wait3A_267 = arith.constant 0 : i32
    %dma_wait3A_268 = tpu.memref_slice %arg6[%dma_wait3A_264, %dma_wait3A_266, %dma_wait3A_267] : memref<4x16x1024xf32, #tpu.memory_space<vmem>> -> memref<1x16x1024xf32, #tpu.memory_space<vmem>>
    %dma_wait3A_269 = tpu.memref_squeeze %dma_wait3A_268 : memref<1x16x1024xf32, #tpu.memory_space<vmem>> -> memref<16x1024xf32, #tpu.memory_space<vmem>>
    %dma_wait3A_270 = arith.constant 0 : i32
    %dma_wait3A_271 = tpu.memref_slice %arg4[%mul3A_2, %dma_wait3A_270] : memref<16384x1024xf32, #tpu.memory_space<hbm>> -> memref<16x1024xf32, #tpu.memory_space<hbm>>
    %dma_wait3A_272 = tpu.memref_slice %arg8[%dma_wait3A_265] : memref<4x!tpu.dma_semaphore, #tpu.memory_space<semaphore_mem>> -> memref<1x!tpu.dma_semaphore, #tpu.memory_space<semaphore_mem>>
    %dma_wait3A_273 = tpu.memref_squeeze %dma_wait3A_272 : memref<1x!tpu.dma_semaphore, #tpu.memory_space<semaphore_mem>> -> memref<!tpu.dma_semaphore, #tpu.memory_space<semaphore_mem>>
    %dma_wait3A_274 = arith.constant 0 : i32
    %dma_wait3A_275 = tpu.memref_slice %arg4[%mul3A_2, %dma_wait3A_274] : memref<16384x1024xf32, #tpu.memory_space<hbm>> -> memref<16x1024xf32, #tpu.memory_space<hbm>>
    %dma_wait3A_276 = arith.constant 0 : i32
    %dma_wait3A_277 = arith.constant 0 : i32
    %dma_wait3A_278 = tpu.memref_slice %arg6[%dma_wait3A_264, %dma_wait3A_276, %dma_wait3A_277] : memref<4x16x1024xf32, #tpu.memory_space<vmem>> -> memref<1x16x1024xf32, #tpu.memory_space<vmem>>
    %dma_wait3A_279 = tpu.memref_squeeze %dma_wait3A_278 : memref<1x16x1024xf32, #tpu.memory_space<vmem>> -> memref<16x1024xf32, #tpu.memory_space<vmem>>
    tpu.wait_dma2 semaphore(%dma_wait3A_273 : memref<!tpu.dma_semaphore, #tpu.memory_space<semaphore_mem>>) src(%dma_wait3A_279 : memref<16x1024xf32, #tpu.memory_space<vmem>>) dst(%dma_wait3A_275 : memref<16x1024xf32, #tpu.memory_space<hbm>>)
    return
  }
}

</mosaic_0001>

<sc_bundles>
// kernel: kernel.3.cloned.1.call-start
scs
__scs_entry_jumppad:
0x0: {  	(pc) =	sbr.rel $0x88, $3  }
0x1: {  	(tag) =	ssettag $0x0;
	lr =	simm.s32 $0x1  }
0x2: {  	[smem:$0x3F9C] =	sst lr;
	_ =	strace $0xD0000000  }
0x3: {  	_ = 	snop  }
0x4: {  	_ = 	snop  }
0x5: {  	_ = 	snop  }
0x6: {  	_ = 	snop  }
0x7: {  	_ = 	snop  }
__scs_overlays_trampoline_lowered:
0x8: {  	[smem:$0x3FAB] =	sst s0  }
0x9: {  	[smem:$0x3FAC] =	sst s1  }
0xa: {  	[smem:$0x3FAD] =	sst s2  }
0xb: {  	[smem:$0x3FAE] =	sst s3  }
0xc: {  	[smem:$0x3FAF] =	sst s4  }
0xd: {  	[smem:$0x3FB0] =	sst s5  }
0xe: {  	[smem:$0x3FB1] =	sst s6  }
0xf: {  	[smem:$0x3FB2] =	sst s7  }
0x10: {  	[smem:$0x3FB3] =	sst s8  }
0x11: {  	[smem:$0x3FB4] =	sst s9;
	s0 =	simm.s32 @!p0 $0x0  }
0x12: {  	s1 =	sld [smem:$0x3F9A];
	s0 =	simm.s32 @p0 $0x1  }
0x13: {  	[smem:$0x3FB5] =	sst s0;
	s0 =	simm.s32 @!p1 $0x0  }
0x14: {  	s2 =	sld [smem:$0x3F99];
	s0 =	simm.s32 @p1 $0x1  }
0x15: {  	[smem:$0x3FB6] =	sst s0;
	s0 =	simm.s32 @!p2 $0x0  }
0x16: {  	s3 =	sld [smem:$0x3FDB];
	s0 =	simm.s32 @p2 $0x1  }
0x17: {  	s4 =	simm.s32 $0x1BF5;
	[smem:$0x3FB8] =	sst s0  }
0x18: {  	s0 =	sld [smem:$0x3F9B];
	_ =	swait.ge [sflag:s4], $0x0  }
0x19: {  	s7 =	sld [smem:$0x3F9C]  }
0x1a: {  	s8 =	sadd.s32 $0xFFFFE003, lr  }
0x1b: {  	s9 =	sadd.s32 $0xFFFFFEF7, lr;
	s5 =	simm.s32 $0xFFFFFFFF;
	p2 =	slt.u32 s8, $0xFFFFF086  }
0x1c: {  	p1 =	slt.u32 s9, $0xF7A;
	s5 =	simm.s32 @!p2 $0x0  }
0x1d: {  	s5 =	simm.s32 @p1 $0x1;
	p0 =	seq.s32 s7, s2  }
0x1e: {  	s7 =	smul.u32 @!p0 $0xF7A, s2;
	p2 =	seq.s32 @!p0 s5, $0x0  }
0x1f: {  	s9 =	smul.u32 $0xF7A, s1;
	s8 =	simm.s32 @!p0 $0x1BF5;
	p2 =	por !p2, p0  }
0x20: {  	[sflag:s8] =	ssyncset.s32 @!p0 $0xFFFFF086;
	s6 =	sadd.s32 @!p0 s3, s7;
	s7 =	simm.s32 @!p0 $0x108  }
0x21: {  	s3 =	sadd.s32 s3, s9;
	s6 =	sadd.s32 @!p0 $0x88, s6;
	s7 =	simm.s32 @p2 $0x1082  }
0x22: {  	[simem:s7], [sflag:s8] =	dma.local @!p0 [hbm:s6], $0xF7A  }
0x23: {  	s9 =	sor.u32 $0xD0000000, s2;
	s6 =	simm.s32 $0x108;
	_ =	swait.ge @!p0 [sflag:s8], $0x0  }
0x24: {  	s3 =	sadd.s32 $0x88, s3;
	s6 =	simm.s32 @!p1 $0x1082;
	[sflag:s4] =	ssyncset.s32 $0xFFFFF086  }
0x25: {  	[simem:s6], [sflag:s4] =	dma.local [hbm:s3], $0xF7A  }
0x26: {  	[smem:$0x3F9C] =	sst s1;
	(tag) =	ssettag s2;
	_ =	strace s9  }
0x27: {  	s1 =	sld [smem:$0x3FAC]  }
0x28: {  	s2 =	sld [smem:$0x3FAD]  }
0x29: {  	s4 =	sld [smem:$0x3FAF]  }
0x2a: {  	p0 =	seq.s32 s5, $0x0;
	s5 =	sld [smem:$0x3FB0]  }
0x2b: {  	s6 =	sld [smem:$0x3FB1]  }
0x2c: {  	s7 =	sld [smem:$0x3FB2]  }
0x2d: {  	s3 =	simm.s32 $0x108;
	s8 =	sld [smem:$0x3FB3]  }
0x2e: {  	s3 =	simm.s32 @!p0 $0x1082;
	s9 =	sld [smem:$0x3FB4]  }
0x2f: {  	lr =	sadd.s32 s0, s3;
	s0 =	sld [smem:$0x3FAB]  }
0x30: {  	s3 =	sld [smem:$0x3FAE]  }
0x31: {  	[smem:$0x3FB7] =	sst s10  }
0x32: {  	s10 =	sld [smem:$0x3FB5];
	_ =	sdelay $0x3  }
0x33: {  	p0 =	seq.s32 s10, $0x1;
	s10 =	sld [smem:$0x3FB7];
	_ =	sdelay $0x3  }
0x34: {  	[smem:$0x3FB7] =	sst s10  }
0x35: {  	s10 =	sld [smem:$0x3FB6];
	_ =	sdelay $0x3  }
0x36: {  	p1 =	seq.s32 s10, $0x1;
	s10 =	sld [smem:$0x3FB7];
	_ =	sdelay $0x3  }
0x37: {  	[smem:$0x3FB7] =	sst s10  }
0x38: {  	s10 =	sld [smem:$0x3FB8]  }
0x39: {  	_ = 	snop;
	(pc) =	sbr.ind lr, $3  }
0x3a: {  	_ = 	snop  }
0x3b: {  	_ = 	snop  }
0x3c: {  	p2 =	seq.s32 s10, $0x1;
	s10 =	sld [smem:$0x3FB7]  }
0x3d: {  	_ =	shalt  }
0x3e: {  	_ =	shalt  }
0x3f: {  	_ =	shalt  }
0x40: {  	_ =	shalt  }
0x41: {  	_ =	shalt  }
0x42: {  	_ =	shalt  }
0x43: {  	_ =	shalt  }
0x44: {  	_ =	shalt  }
0x45: {  	_ =	shalt  }
0x46: {  	_ =	shalt  }
0x47: {  	_ =	shalt  }
0x48: {  	_ =	shalt  }
0x49: {  	_ =	shalt  }
0x4a: {  	_ =	shalt  }
0x4b: {  	_ =	shalt  }
0x4c: {  	_ =	shalt  }
0x4d: {  	_ =	shalt  }
0x4e: {  	_ =	shalt  }
0x4f: {  	_ =	shalt  }
0x50: {  	_ =	shalt  }
0x51: {  	_ =	shalt  }
0x52: {  	_ =	shalt  }
0x53: {  	_ =	shalt  }
0x54: {  	_ =	shalt  }
0x55: {  	_ =	shalt  }
0x56: {  	_ =	shalt  }
0x57: {  	_ =	shalt  }
0x58: {  	_ =	shalt  }
0x59: {  	_ =	shalt  }
0x5a: {  	_ =	shalt  }
0x5b: {  	_ =	shalt  }
0x5c: {  	_ =	shalt  }
0x5d: {  	_ =	shalt  }
0x5e: {  	_ =	shalt  }
0x5f: {  	_ =	shalt  }
0x60: {  	_ =	shalt  }
0x61: {  	_ =	shalt  }
0x62: {  	_ =	shalt  }
0x63: {  	_ =	shalt  }
0x64: {  	_ =	shalt  }
0x65: {  	_ =	shalt  }
0x66: {  	_ =	shalt  }
0x67: {  	_ =	shalt  }
0x68: {  	_ =	shalt  }
0x69: {  	_ =	shalt  }
0x6a: {  	_ =	shalt  }
0x6b: {  	_ =	shalt  }
0x6c: {  	_ =	shalt  }
0x6d: {  	_ =	shalt  }
0x6e: {  	_ =	shalt  }
0x6f: {  	_ =	shalt  }
0x70: {  	_ =	shalt  }
0x71: {  	_ =	shalt  }
0x72: {  	_ =	shalt  }
0x73: {  	_ =	shalt  }
0x74: {  	_ =	shalt  }
0x75: {  	_ =	shalt  }
0x76: {  	_ =	shalt  }
0x77: {  	_ =	shalt  }
0x78: {  	_ =	shalt  }
0x79: {  	_ =	shalt  }
0x7a: {  	_ =	shalt  }
0x7b: {  	_ =	shalt  }
0x7c: {  	_ =	shalt  }
0x7d: {  	_ =	shalt  }
0x7e: {  	_ =	shalt  }
0x7f: {  	_ =	shalt  }
0x80: {  	_ =	shalt  }
0x81: {  	_ =	shalt  }
0x82: {  	_ =	shalt  }
0x83: {  	_ =	shalt  }
0x84: {  	_ =	shalt  }
0x85: {  	_ =	shalt  }
0x86: {  	_ =	shalt  }
0x87: {  	_ =	shalt  }
.Lfunc_end0:
.L_simem_size_0:
called_computation_lowered:
.L_overlay_start_0:
0x88: {  	s2 =	sld [smem:$0x3FD9]  }
0x89: {  	s3 =	sld [smem:$0x3FFE];
	_ =	sdelay $0x1  }
0x8a: {  	s1 =	srdreg.scid  }
0x8b: {  	s0 =	sand.u32 $0x1, s1  }
0x8c: {  	s15 =	sshll.u32 s0, $0xA;
	s2 =	sadd.s32 s3, s2  }
0x8d: {  	s2 =	sadd.s32 s2, s15  }
0x8e: {  	[smem:$0x3FC3] =	sst s2  }
0x8f: {  	_ = 	snop  }
0x90: {  	s2 =	sld [smem:$0x3FD0];
	_ =	sdelay $0x2  }
0x91: {  	s4 =	simm.s32 $0xA;
	s5 =	simm.s32 $0x10;
	s16 =	sld [smem:$0x3FC5]  }
0x92: {  	[smem:s5], [sflag:s4] =	dma.local [hbm:s2], $0x1  }
0x93: {  	_ =	swait.eq [sflag:s4], $0x1  }
0x94: {  	[sflag:s4] =	ssyncset.done $0x0  }
0x95: {  	s17 =	sld [smem:$0x12];
	[sflag:s4] =	ssyncadd.s32 $0xFFFFFFFF  }
0x96: {  	s18 =	sld [smem:$0x14];
	(tm) =	ssettm $0x1  }
0x97: {  	s19 =	sld [smem:$0x3FFB];
	_ =	sdelay $0x3  }
0x98: {  	_ =	strace s19  }
0x99: {  	s5 =	sld [smem:$0x3FFC];
	_ =	sdelay $0x3  }
0x9a: {  	_ =	strace s5  }
0x9b: {  	s5 =	sld [smem:$0x3FFD];
	_ =	sdelay $0x3  }
0x9c: {  	_ =	strace s5  }
0x9d: {  	_ =	strace $0x8FFFFFFF  }
0x9e: {  	s20 =	sld [smem:$0x3FDB];
	_ =	sdelay $0x1  }
0x9f: {  	s6 =	simm.s32 $_scs_section_size  }
0xa0: {  	s7 =	simm.s32 $_size__tile_overlayer_lowered;
	s8 =	simm.s32 $_tile_overlayer_lowered  }
0xa1: {  	s23 =	simm.s32 $0x1BFF;
	s22 =	sshll.u32 s8, $0x1;
	s5 =	sadd.s32 s6, s20  }
0xa2: {  	s9 =	simm.s32 $0x0;
	s21 =	sshll.u32 s7, $0x1;
	s7 =	sadd.s32 s22, s5  }
0xa3: {  	[timem:s9], [sflag:s23] =	dma.local [hbm:s7], s21  }
0xa4: {  	_ =	swait.ge [sflag:s23], s21  }
0xa5: {  	s6 =	ssub.s32 $0x0, s21;
	[sflag:s23] =	ssyncset.done $0x0  }
0xa6: {  	[sflag:s23] =	ssyncadd.s32 s6;
	_ =	sdelay $0x1  }
0xa7: {  	s24 =	simm.s32 $0x1B8B  }
0xa8: {  	_ =	swait.ge [sflag:s24], $0x1  }
0xa9: {  	[sflag:s24] =	ssyncset.done $0x0  }
0xaa: {  	s25 =	simm.s32 $0x1B8E;
	[sflag:s24] =	ssyncadd.s32 $0xFFFFFFFF  }
0xab: {  	s26 =	simm.s32 $execute0_lowered;
	[smem:$0x3FD2] =	sst s25  }
0xac: {  	s6 =	sshll.u32 s26, $0x1;
	_ =	strace $0x80000046;
	[dreg:$0x1] =	wrdreg $0xFFFFFFFF  }
0xad: {  	s28 =	simm.s32 $_size_execute0_lowered;
	s5 =	sadd.s32 s5, s6;
	[dreg:$0x0] =	wrdreg $0x0  }
0xae: {  	s6 =	sshll.u32 s28, $0x1;
	[dreg:$0x2] =	wrdreg s5  }
0xaf: {  	[dreg:$0x3] =	wrdreg s6  }
0xb0: {  	[dreg:$0x4] =	wrdreg $0xC0  }
0xb1: {  	_ =	task [dreg:s9], $0x5FFFF  }
0xb2: {  	[dreg:$0x1] =	wrdreg $0xFFFFFFFF  }
0xb3: {  	[dreg:$0x0] =	wrdreg $0x60  }
0xb4: {  	[dreg:$0x2] =	wrdreg s18  }
0xb5: {  	[dreg:$0x3] =	wrdreg s16  }
0xb6: {  	[dreg:$0x4] =	wrdreg s17  }
0xb7: {  	[dreg:$0x5] =	wrdreg $0x9  }
0xb8: {  	_ =	task.clear_ibuf [dreg:s9], $0x6FFFF;
	_ =	strace $0x90000046  }
0xb9: {  	s29 =	simm.s32 $0x9;
	_ =	strace $0x80000048  }
0xba: {  	_ =	swait.ge [sflag:s29], $0x1  }
0xbb: {  	[sflag:s29] =	ssyncadd.s32 $0xFFFFFFFF  }
0xbc: {  	_ =	strace $0x90000048  }
0xbd: {  	_ =	sfence  }
0xbe: {  	s30 =	sld [smem:$0x0];
	_ =	sdelay $0x2  }
0xbf: {  	s31 =	sshll.u32 s1, $0xD;
	s1 =	sshrl.u32 s1, $0x2  }
0xc0: {  	s3 =	sand.u32 $0x4000, s31;
	s1 =	sadd.s32 s1, s30  }
0xc1: {  	s0 =	sor.u32 s3, s0;
	s1 =	sshll.u32 s1, $0x11  }
0xc2: {  	s0 =	sor.u32 s1, s0  }
0xc3: {  	s0 =	sadd.s32 $0x8F2B, s0  }
0xc4: {  	[sflag:s0] =	ssyncadd.remote.s32 $0x1  }
0xc5: {  	_ =	sfence.sel $0xFFFF  }
0xc6: {  	[dreg:$0x0] =	wrdreg $0xFFFFFFFF;
	(pc) =	sbr.abs _section_cstart, $3  }
0xc7: {  	[dreg:$0x1] =	wrdreg $0xFFFFFFFF  }
0xc8: {  	_ =	task.clear_ibuf [dreg:s9], $0x2FFFF;
	_ =	strace $0x9FFFFFFF  }
0xc9: {  	(tm) =	ssettm $0x7FFFFFFF  }
tec
execute0_lowered:
.L_overlay_start_1:
0x0: {  	(tag) =	ssettag $0x1  }
0x1: {  	s0 =	rddreg [dreg:$0x0]  }
0x2: {  	s2 =	rddreg [dreg:$0x1];
	s1 =	srdreg.scid  }
0x3: {  	s4 =	rddreg [dreg:$0x2];
	s10 =	stileid.u32  }
0x4: {  	s3 =	simm.s32 $0x0;
	s19 =	simm.s32 $0x3200;
	s13 =	simm.s32 $0x3A00  }
0x5: {  	s31 =	simm.s32 $0x4200;
	s15 =	simm.s32 $0x4A00;
	s16 =	simm.s32 $0x5200  }
0x6: {  	s17 =	simm.s32 $0x5A00;
	s18 =	simm.s32 $0x6200;
	s14 =	simm.s32 $0x6A00  }
0x7: {  	s11 =	simm.s32 $0x8200;
	s12 =	simm.s32 $0xC200;
	s28 =	simm.s32 $0x7  }
0x8: {  	s29 =	simm.s32 $0x4;
	s30 =	simm.s32 $0x8;
	s1 =	sand.u32 $0x1, s1  }
0x9: {  	s5 =	sshll.u32 s10, $0xA;
	[smem:$0x7FF] =	sst s3;
	s22 =	sshll.u32 s10, $0x11  }
0xa: {  	s10 =	simm.s32 $0x2A00;
	s6 =	sshll.u32 s1, $0x9;
	s7 =	ssub.s32 $0x2, s1  }
0xb: {  	_ =	strace $0x80000047;
	s1 =	sshll.u32 s1, $0x10;
	s8 =	sor.u32 s6, s5  }
0xc: {  	s20 =	sshrl.u32 s7, $0x1;
	s5 =	sadd.s32 $0x100, s2;
	s6 =	sshrl.u32 s8, $0x3  }
0xd: {  	s9 =	ssub.s32 s7, s20;
	s21 =	sshll.u32 s8, $0x7;
	s7 =	sadd.s32 $0x300, s2  }
0xe: {  	s8 =	simm.s32 $0xA00;
	s20 =	simm.s32 $0x7200;
	s0 =	sadd.s32 s0, s6  }
0xf: {  	s26 =	smax.u32 s9, $0x1;
	[dreg:$0x5] =	wrdreg s0;
	s0 =	sadd.s32 s21, s4  }
0x10: {  	s6 =	sadd.s32 $0x200, s2;
	[dreg:$0xa] =	wrdreg s26;
	s23 =	sadd.s32 $0xE000, s0  }
0x11: {  	s9 =	simm.s32 $0x2200;
	s24 =	sadd.s32 $0xE800, s0;
	[dreg:$0x6] =	wrdreg s23  }
0x12: {  	s4 =	sadd.s32 s22, s4;
	s25 =	sadd.s32 $0xF000, s0;
	[dreg:$0x7] =	wrdreg s24  }
0x13: {  	s22 =	simm.s32 $0x200;
	s0 =	sadd.s32 $0xF800, s0;
	[dreg:$0x8] =	wrdreg s25  }
0x14: {  	s21 =	simm.s32 $0x1;
	s1 =	sadd.s32 s1, s4;
	[dreg:$0x9] =	wrdreg s0  }
0x15: {  	v2 =	vlaneseq.u32;
	s26 =	simm.s32 $0x3;
	s4 =	simm.s32 $0x1A00;
	[dreg:$0x4] =	wrdreg s1  }
0x16: {  	vm0 =	vmmov $0xffff;
	v1 =	vshrl.u32 v2, $0x3;
	s1 =	simm.s32 $0x1200;
	s23 =	simm.s32 $0x5;
	s0 =	simm.s32 $0x0  }
0x17: {  	v0 =	vand.u32 $0x7, v2;
	v2 =	vor.u32 $0x8, v2;
	v1 =	vmul.u32 $0x8, v1;
	s24 =	simm.s32 $0x2;
	s25 =	simm.s32 $0x6;
	[dreg:$0xb] =	wrdreg s0  }
.LBB2_1:
0x18: {  	s0 =	rddreg [dreg:$0x5]  }
0x19: {  	[tilespmem:s3], [sflag:$0x9] =	stream.linear.gather [hbm4b:s0+s3], $0x200, $0x38;
	[tilespmem:$0x10200] =	vst v63  }
0x1a: {  	s0 =	simm.s32 $0x9  }
0x1b: {  	_ =	swait.ge [sflag:s0], $0x200  }
0x1c: {  	[sflag:s0] =	ssyncset.done $0x0  }
0x1d: {  	[sflag:s0] =	ssyncadd.s32 $0xFFFFFE00  }
0x1e: {  	v3 =	vld [tilespmem:$0x0];
	_ =	sdelay $0x4  }
0x1f: {  	vm1 =	vgt.s32 v3, $0x0  }
0x20: {  	v3 =	vnsel vm1, $0x0, v3  }
0x21: {  	v4 =	vshll.u32 v3, $0x3  }
0x22: {  	v3 =	vand.u32 $0x7, v3;
	v4 =	vand.u32 $0xFFFFFFC0, v4  }
0x23: {  	v3 =	vor.u32 v3, v4  }
0x24: {  	v4 =	vperm.xlane v3, v0;
	_ =	sdelay $0x1  }
0x25: {  	v4 =	vadd.s32 v1, v4;
	_ =	sdelay $0x4  }
0x26: {  	[tilespmem:s22], [sflag:$0x1] =	stream.indirect_vreg.gather [hbm4b:s2+s3], $0x80, v4, vm0, $0xb8;
	[tilespmem:$0x10200] =	vst v63  }
0x27: {  	v3 =	vperm.xlane v3, v2  }
0x28: {  	[tilespmem:s8], [sflag:$0x1] =	stream.indirect_vreg.gather [hbm4b:s5+s3], $0x80, v4, vm0, $0xb8;
	[tilespmem:$0x10200] =	vst v63  }
0x29: {  	v3 =	vadd.s32 v1, v3  }
0x2a: {  	[tilespmem:s1], [sflag:$0x1] =	stream.indirect_vreg.gather [hbm4b:s6+s3], $0x80, v4, vm0, $0xb8;
	[tilespmem:$0x10200] =	vst v63  }
0x2b: {  	_ = 	snop  }
0x2c: {  	[tilespmem:s4], [sflag:$0x1] =	stream.indirect_vreg.gather [hbm4b:s7+s3], $0x80, v4, vm0, $0xb8;
	[tilespmem:$0x10200] =	vst v63  }
0x2d: {  	_ = 	snop  }
0x2e: {  	[tilespmem:s9], [sflag:$0x1] =	stream.indirect_vreg.gather [hbm4b:s2+s3], $0x80, v3, vm0, $0xb8;
	[tilespmem:$0x10200] =	vst v63  }
0x2f: {  	_ = 	snop  }
0x30: {  	[tilespmem:s10], [sflag:$0x1] =	stream.indirect_vreg.gather [hbm4b:s5+s3], $0x80, v3, vm0, $0xb8;
	[tilespmem:$0x10200] =	vst v63  }
0x31: {  	_ = 	snop  }
0x32: {  	[tilespmem:s19], [sflag:$0x1] =	stream.indirect_vreg.gather [hbm4b:s6+s3], $0x80, v3, vm0, $0xb8;
	[tilespmem:$0x10200] =	vst v63  }
0x33: {  	_ = 	snop  }
0x34: {  	[tilespmem:s13], [sflag:$0x1] =	stream.indirect_vreg.gather [hbm4b:s7+s3], $0x80, v3, vm0, $0xb8;
	[tilespmem:$0x10200] =	vst v63  }
0x35: {  	v3 =	vld [tilespmem:$0x10];
	_ =	sdelay $0x4  }
0x36: {  	vm1 =	vgt.s32 v3, $0x0  }
0x37: {  	v3 =	vnsel vm1, $0x0, v3  }
0x38: {  	v61 =	vshll.u32 v3, $0x3  }
0x39: {  	v3 =	vand.u32 $0x7, v3;
	v4 =	vand.u32 $0xFFFFFFC0, v61  }
0x3a: {  	v3 =	vor.u32 v3, v4  }
0x3b: {  	v4 =	vperm.xlane v3, v0;
	_ =	sdelay $0x1  }
0x3c: {  	v4 =	vadd.s32 v1, v4;
	_ =	sdelay $0x4  }
0x3d: {  	[tilespmem:s31], [sflag:$0x2] =	stream.indirect_vreg.gather [hbm4b:s2+s3], $0x80, v4, vm0, $0xb8;
	[tilespmem:$0x10200] =	vst v63  }
0x3e: {  	v3 =	vperm.xlane v3, v2  }
0x3f: {  	[tilespmem:s15], [sflag:$0x2] =	stream.indirect_vreg.gather [hbm4b:s5+s3], $0x80, v4, vm0, $0xb8;
	[tilespmem:$0x10200] =	vst v63  }
0x40: {  	v3 =	vadd.s32 v1, v3  }
0x41: {  	[tilespmem:s16], [sflag:$0x2] =	stream.indirect_vreg.gather [hbm4b:s6+s3], $0x80, v4, vm0, $0xb8;
	[tilespmem:$0x10200] =	vst v63  }
0x42: {  	_ = 	snop  }
0x43: {  	[tilespmem:s17], [sflag:$0x2] =	stream.indirect_vreg.gather [hbm4b:s7+s3], $0x80, v4, vm0, $0xb8;
	[tilespmem:$0x10200] =	vst v63  }
0x44: {  	_ = 	snop  }
0x45: {  	[tilespmem:s18], [sflag:$0x2] =	stream.indirect_vreg.gather [hbm4b:s2+s3], $0x80, v3, vm0, $0xb8;
	[tilespmem:$0x10200] =	vst v63  }
0x46: {  	_ = 	snop  }
0x47: {  	[tilespmem:s14], [sflag:$0x2] =	stream.indirect_vreg.gather [hbm4b:s5+s3], $0x80, v3, vm0, $0xb8;
	[tilespmem:$0x10200] =	vst v63  }
0x48: {  	_ = 	snop  }
0x49: {  	[tilespmem:s20], [sflag:$0x2] =	stream.indirect_vreg.gather [hbm4b:s6+s3], $0x80, v3, vm0, $0xb8;
	[tilespmem:$0x10200] =	vst v63  }
0x4a: {  	s10 =	simm.s32 $0x7A00  }
0x4b: {  	[tilespmem:s10], [sflag:$0x2] =	stream.indirect_vreg.gather [hbm4b:s7+s3], $0x80, v3, vm0, $0xb8;
	[tilespmem:$0x10200] =	vst v63  }
0x4c: {  	v3 =	vld [tilespmem:$0x20];
	_ =	sdelay $0x4  }
0x4d: {  	vm1 =	vgt.s32 v3, $0x0  }
0x4e: {  	v3 =	vnsel vm1, $0x0, v3  }
0x4f: {  	v62 =	vshll.u32 v3, $0x3  }
0x50: {  	v3 =	vand.u32 $0x7, v3;
	v4 =	vand.u32 $0xFFFFFFC0, v62  }
0x51: {  	v3 =	vor.u32 v3, v4  }
0x52: {  	v4 =	vperm.xlane v3, v0;
	_ =	sdelay $0x1  }
0x53: {  	v4 =	vadd.s32 v1, v4;
	_ =	sdelay $0x4  }
0x54: {  	[tilespmem:s11], [sflag:$0x3] =	stream.indirect_vreg.gather [hbm4b:s2+s3], $0x80, v4, vm0, $0xb8;
	[tilespmem:$0x10200] =	vst v63  }
0x55: {  	v3 =	vperm.xlane v3, v2;
	s11 =	simm.s32 $0x8A00  }
0x56: {  	[tilespmem:s11], [sflag:$0x3] =	stream.indirect_vreg.gather [hbm4b:s5+s3], $0x80, v4, vm0, $0xb8;
	[tilespmem:$0x10200] =	vst v63  }
0x57: {  	s13 =	simm.s32 $0x9200;
	v3 =	vadd.s32 v1, v3  }
0x58: {  	[tilespmem:s13], [sflag:$0x3] =	stream.indirect_vreg.gather [hbm4b:s6+s3], $0x80, v4, vm0, $0xb8;
	[tilespmem:$0x10200] =	vst v63  }
0x59: {  	s14 =	simm.s32 $0x9A00  }
0x5a: {  	[tilespmem:s14], [sflag:$0x3] =	stream.indirect_vreg.gather [hbm4b:s7+s3], $0x80, v4, vm0, $0xb8;
	[tilespmem:$0x10200] =	vst v63  }
0x5b: {  	s15 =	simm.s32 $0xA200  }
0x5c: {  	[tilespmem:s15], [sflag:$0x3] =	stream.indirect_vreg.gather [hbm4b:s2+s3], $0x80, v3, vm0, $0xb8;
	[tilespmem:$0x10200] =	vst v63  }
0x5d: {  	s16 =	simm.s32 $0xAA00  }
0x5e: {  	[tilespmem:s16], [sflag:$0x3] =	stream.indirect_vreg.gather [hbm4b:s5+s3], $0x80, v3, vm0, $0xb8;
	[tilespmem:$0x10200] =	vst v63  }
0x5f: {  	s17 =	simm.s32 $0xB200  }
0x60: {  	[tilespmem:s17], [sflag:$0x3] =	stream.indirect_vreg.gather [hbm4b:s6+s3], $0x80, v3, vm0, $0xb8;
	[tilespmem:$0x10200] =	vst v63  }
0x61: {  	s18 =	simm.s32 $0xBA00  }
0x62: {  	[tilespmem:s18], [sflag:$0x3] =	stream.indirect_vreg.gather [hbm4b:s7+s3], $0x80, v3, vm0, $0xb8;
	[tilespmem:$0x10200] =	vst v63  }
0x63: {  	v3 =	vld [tilespmem:$0x30];
	_ =	sdelay $0x4  }
0x64: {  	vm1 =	vgt.s32 v3, $0x0  }
0x65: {  	v3 =	vnsel vm1, $0x0, v3  }
0x66: {  	v63 =	vshll.u32 v3, $0x3  }
0x67: {  	v3 =	vand.u32 $0x7, v3;
	v4 =	vand.u32 $0xFFFFFFC0, v63  }
0x68: {  	v3 =	vor.u32 v3, v4  }
0x69: {  	v4 =	vperm.xlane v3, v0;
	_ =	sdelay $0x1  }
0x6a: {  	v4 =	vadd.s32 v1, v4;
	_ =	sdelay $0x4  }
0x6b: {  	[tilespmem:s12], [sflag:$0x4] =	stream.indirect_vreg.gather [hbm4b:s2+s3], $0x80, v4, vm0, $0xb8;
	[tilespmem:$0x10200] =	vst v63  }
0x6c: {  	s19 =	simm.s32 $0xCA00;
	v3 =	vperm.xlane v3, v2  }
0x6d: {  	[tilespmem:s19], [sflag:$0x4] =	stream.indirect_vreg.gather [hbm4b:s5+s3], $0x80, v4, vm0, $0xb8;
	[tilespmem:$0x10200] =	vst v63  }
0x6e: {  	s20 =	simm.s32 $0xD200;
	v3 =	vadd.s32 v1, v3  }
0x6f: {  	[tilespmem:s20], [sflag:$0x4] =	stream.indirect_vreg.gather [hbm4b:s6+s3], $0x80, v4, vm0, $0xb8;
	[tilespmem:$0x10200] =	vst v63  }
0x70: {  	s22 =	simm.s32 $0xDA00  }
0x71: {  	[tilespmem:s22], [sflag:$0x4] =	stream.indirect_vreg.gather [hbm4b:s7+s3], $0x80, v4, vm0, $0xb8;
	[tilespmem:$0x10200] =	vst v63  }
0x72: {  	s0 =	simm.s32 $0x70;
	s1 =	simm.s32 $0x0;
	s31 =	simm.s32 $0xE200  }
0x73: {  	[tilespmem:s31], [sflag:$0x4] =	stream.indirect_vreg.gather [hbm4b:s2+s3], $0x80, v3, vm0, $0xb8;
	[tilespmem:$0x10200] =	vst v63  }
0x74: {  	s9 =	simm.s32 $0xEA00;
	s10 =	simm.s32 $0x1A00;
	s13 =	simm.s32 $0x2A00  }
0x75: {  	[tilespmem:s9], [sflag:$0x4] =	stream.indirect_vreg.gather [hbm4b:s5+s3], $0x80, v3, vm0, $0xb8;
	[tilespmem:$0x10200] =	vst v63  }
0x76: {  	s15 =	simm.s32 $0xF200;
	s16 =	simm.s32 $0x3A00;
	s17 =	simm.s32 $0x7200  }
0x77: {  	[tilespmem:s15], [sflag:$0x4] =	stream.indirect_vreg.gather [hbm4b:s6+s3], $0x80, v3, vm0, $0xb8;
	[tilespmem:$0x10200] =	vst v63  }
0x78: {  	s18 =	simm.s32 $0x5200;
	s19 =	simm.s32 $0xFA00;
	s20 =	simm.s32 $0x6200  }
0x79: {  	[tilespmem:s19], [sflag:$0x4] =	stream.indirect_vreg.gather [hbm4b:s7+s3], $0x80, v3, vm0, $0xb8;
	[tilespmem:$0x10200] =	vst v63  }
.LBB2_2:
0x7a: {  	_ =	swait.ge [sflag:s21], $0x4000  }
0x7b: {  	s4 =	rddreg [dreg:$0x4];
	[sflag:s21] =	ssyncset.done $0x0  }
0x7c: {  	s31 =	simm.s32 $0x200;
	[sflag:s21] =	ssyncadd.s32 $0xFFFFC000;
	s4 =	sadd.s32 s1, s4  }
0x7d: {  	[hbm4b:s4+s3] =	stream.linear.scatter [tilespmem:s31], [sflag:$0x5], $0x4000, $0x38;
	[tilespmem:$0x10200] =	vst v63  }
0x7e: {  	_ =	swait.ge [sflag:s23], $0x4000  }
0x7f: {  	[sflag:s23] =	ssyncset.done $0x0  }
0x80: {  	[sflag:s23] =	ssyncadd.s32 $0xFFFFC000  }
0x81: {  	v3 =	vld [tilespmem:s0+$0xFFFFFFD0];
	_ =	sdelay $0x4  }
0x82: {  	vm1 =	vgt.s32 v3, $0x0  }
0x83: {  	v3 =	vnsel vm1, $0x0, v3  }
0x84: {  	v4 =	vshll.u32 v3, $0x3  }
0x85: {  	v3 =	vand.u32 $0x7, v3;
	v4 =	vand.u32 $0xFFFFFFC0, v4  }
0x86: {  	v3 =	vor.u32 v3, v4  }
0x87: {  	v4 =	vperm.xlane v3, v0;
	_ =	sdelay $0x1  }
0x88: {  	v4 =	vadd.s32 v1, v4;
	_ =	sdelay $0x4  }
0x89: {  	[tilespmem:s31], [sflag:$0x1] =	stream.indirect_vreg.gather [hbm4b:s2+s3], $0x80, v4, vm0, $0xb8;
	[tilespmem:$0x10200] =	vst v63  }
0x8a: {  	v3 =	vperm.xlane v3, v2  }
0x8b: {  	[tilespmem:s8], [sflag:$0x1] =	stream.indirect_vreg.gather [hbm4b:s5+s3], $0x80, v4, vm0, $0xb8;
	[tilespmem:$0x10200] =	vst v63  }
0x8c: {  	s11 =	simm.s32 $0x1200;
	v3 =	vadd.s32 v1, v3  }
0x8d: {  	[tilespmem:s11], [sflag:$0x1] =	stream.indirect_vreg.gather [hbm4b:s6+s3], $0x80, v4, vm0, $0xb8;
	[tilespmem:$0x10200] =	vst v63  }
0x8e: {  	_ = 	snop  }
0x8f: {  	[tilespmem:s10], [sflag:$0x1] =	stream.indirect_vreg.gather [hbm4b:s7+s3], $0x80, v4, vm0, $0xb8;
	[tilespmem:$0x10200] =	vst v63  }
0x90: {  	s14 =	simm.s32 $0x2200  }
0x91: {  	[tilespmem:s14], [sflag:$0x1] =	stream.indirect_vreg.gather [hbm4b:s2+s3], $0x80, v3, vm0, $0xb8;
	[tilespmem:$0x10200] =	vst v63  }
0x92: {  	_ = 	snop  }
0x93: {  	[tilespmem:s13], [sflag:$0x1] =	stream.indirect_vreg.gather [hbm4b:s5+s3], $0x80, v3, vm0, $0xb8;
	[tilespmem:$0x10200] =	vst v63  }
0x94: {  	s11 =	simm.s32 $0x3200  }
0x95: {  	[tilespmem:s11], [sflag:$0x1] =	stream.indirect_vreg.gather [hbm4b:s6+s3], $0x80, v3, vm0, $0xb8;
	[tilespmem:$0x10200] =	vst v63  }
0x96: {  	_ = 	snop  }
0x97: {  	[tilespmem:s16], [sflag:$0x1] =	stream.indirect_vreg.gather [hbm4b:s7+s3], $0x80, v3, vm0, $0xb8;
	[tilespmem:$0x10200] =	vst v63  }
0x98: {  	_ =	swait.ge [sflag:s24], $0x4000  }
0x99: {  	[sflag:s24] =	ssyncset.done $0x0  }
0x9a: {  	s14 =	sadd.s32 $0x800, s4;
	s11 =	simm.s32 $0x4200;
	[sflag:s24] =	ssyncadd.s32 $0xFFFFC000  }
0x9b: {  	[hbm4b:s14+s3] =	stream.linear.scatter [tilespmem:s11], [sflag:$0x6], $0x4000, $0x38;
	[tilespmem:$0x10200] =	vst v63  }
0x9c: {  	_ =	swait.ge [sflag:s25], $0x4000  }
0x9d: {  	[sflag:s25] =	ssyncset.done $0x0  }
0x9e: {  	[sflag:s25] =	ssyncadd.s32 $0xFFFFC000  }
0x9f: {  	v3 =	vld [tilespmem:s0+$0xFFFFFFE0];
	_ =	sdelay $0x4  }
0xa0: {  	vm1 =	vgt.s32 v3, $0x0  }
0xa1: {  	v3 =	vnsel vm1, $0x0, v3  }
0xa2: {  	v61 =	vshll.u32 v3, $0x3  }
0xa3: {  	v3 =	vand.u32 $0x7, v3;
	v4 =	vand.u32 $0xFFFFFFC0, v61  }
0xa4: {  	v3 =	vor.u32 v3, v4  }
0xa5: {  	v4 =	vperm.xlane v3, v0;
	_ =	sdelay $0x1  }
0xa6: {  	v4 =	vadd.s32 v1, v4;
	_ =	sdelay $0x4  }
0xa7: {  	[tilespmem:s11], [sflag:$0x2] =	stream.indirect_vreg.gather [hbm4b:s2+s3], $0x80, v4, vm0, $0xb8;
	[tilespmem:$0x10200] =	vst v63  }
0xa8: {  	v3 =	vperm.xlane v3, v2;
	s11 =	simm.s32 $0x4A00  }
0xa9: {  	[tilespmem:s11], [sflag:$0x2] =	stream.indirect_vreg.gather [hbm4b:s5+s3], $0x80, v4, vm0, $0xb8;
	[tilespmem:$0x10200] =	vst v63  }
0xaa: {  	v3 =	vadd.s32 v1, v3  }
0xab: {  	[tilespmem:s18], [sflag:$0x2] =	stream.indirect_vreg.gather [hbm4b:s6+s3], $0x80, v4, vm0, $0xb8;
	[tilespmem:$0x10200] =	vst v63  }
0xac: {  	s14 =	simm.s32 $0x5A00  }
0xad: {  	[tilespmem:s14], [sflag:$0x2] =	stream.indirect_vreg.gather [hbm4b:s7+s3], $0x80, v4, vm0, $0xb8;
	[tilespmem:$0x10200] =	vst v63  }
0xae: {  	_ = 	snop  }
0xaf: {  	[tilespmem:s20], [sflag:$0x2] =	stream.indirect_vreg.gather [hbm4b:s2+s3], $0x80, v3, vm0, $0xb8;
	[tilespmem:$0x10200] =	vst v63  }
0xb0: {  	s11 =	simm.s32 $0x6A00  }
0xb1: {  	[tilespmem:s11], [sflag:$0x2] =	stream.indirect_vreg.gather [hbm4b:s5+s3], $0x80, v3, vm0, $0xb8;
	[tilespmem:$0x10200] =	vst v63  }
0xb2: {  	_ = 	snop  }
0xb3: {  	[tilespmem:s17], [sflag:$0x2] =	stream.indirect_vreg.gather [hbm4b:s6+s3], $0x80, v3, vm0, $0xb8;
	[tilespmem:$0x10200] =	vst v63  }
0xb4: {  	s14 =	simm.s32 $0x7A00  }
0xb5: {  	[tilespmem:s14], [sflag:$0x2] =	stream.indirect_vreg.gather [hbm4b:s7+s3], $0x80, v3, vm0, $0xb8;
	[tilespmem:$0x10200] =	vst v63  }
0xb6: {  	_ =	swait.ge [sflag:s26], $0x4000  }
0xb7: {  	[sflag:s26] =	ssyncset.done $0x0  }
0xb8: {  	s11 =	sadd.s32 $0x1000, s4;
	s14 =	simm.s32 $0x8200;
	[sflag:s26] =	ssyncadd.s32 $0xFFFFC000  }
0xb9: {  	[hbm4b:s11+s3] =	stream.linear.scatter [tilespmem:s14], [sflag:$0x7], $0x4000, $0x38;
	[tilespmem:$0x10200] =	vst v63  }
0xba: {  	_ =	swait.ge [sflag:s28], $0x4000  }
0xbb: {  	[sflag:s28] =	ssyncset.done $0x0  }
0xbc: {  	[sflag:s28] =	ssyncadd.s32 $0xFFFFC000  }
0xbd: {  	v3 =	vld [tilespmem:s0+$0xFFFFFFF0];
	_ =	sdelay $0x4  }
0xbe: {  	vm1 =	vgt.s32 v3, $0x0  }
0xbf: {  	v3 =	vnsel vm1, $0x0, v3  }
0xc0: {  	v62 =	vshll.u32 v3, $0x3  }
0xc1: {  	v3 =	vand.u32 $0x7, v3;
	v4 =	vand.u32 $0xFFFFFFC0, v62  }
0xc2: {  	v3 =	vor.u32 v3, v4  }
0xc3: {  	v4 =	vperm.xlane v3, v0;
	_ =	sdelay $0x1  }
0xc4: {  	v4 =	vadd.s32 v1, v4;
	_ =	sdelay $0x4  }
0xc5: {  	[tilespmem:s14], [sflag:$0x3] =	stream.indirect_vreg.gather [hbm4b:s2+s3], $0x80, v4, vm0, $0xb8;
	[tilespmem:$0x10200] =	vst v63  }
0xc6: {  	v3 =	vperm.xlane v3, v2;
	s14 =	simm.s32 $0x8A00  }
0xc7: {  	[tilespmem:s14], [sflag:$0x3] =	stream.indirect_vreg.gather [hbm4b:s5+s3], $0x80, v4, vm0, $0xb8;
	[tilespmem:$0x10200] =	vst v63  }
0xc8: {  	v3 =	vadd.s32 v1, v3;
	s14 =	simm.s32 $0x9200  }
0xc9: {  	[tilespmem:s14], [sflag:$0x3] =	stream.indirect_vreg.gather [hbm4b:s6+s3], $0x80, v4, vm0, $0xb8;
	[tilespmem:$0x10200] =	vst v63  }
0xca: {  	s14 =	simm.s32 $0x9A00  }
0xcb: {  	[tilespmem:s14], [sflag:$0x3] =	stream.indirect_vreg.gather [hbm4b:s7+s3], $0x80, v4, vm0, $0xb8;
	[tilespmem:$0x10200] =	vst v63  }
0xcc: {  	s14 =	simm.s32 $0xA200  }
0xcd: {  	[tilespmem:s14], [sflag:$0x3] =	stream.indirect_vreg.gather [hbm4b:s2+s3], $0x80, v3, vm0, $0xb8;
	[tilespmem:$0x10200] =	vst v63  }
0xce: {  	s14 =	simm.s32 $0xAA00  }
0xcf: {  	[tilespmem:s14], [sflag:$0x3] =	stream.indirect_vreg.gather [hbm4b:s5+s3], $0x80, v3, vm0, $0xb8;
	[tilespmem:$0x10200] =	vst v63  }
0xd0: {  	s14 =	simm.s32 $0xB200  }
0xd1: {  	[tilespmem:s14], [sflag:$0x3] =	stream.indirect_vreg.gather [hbm4b:s6+s3], $0x80, v3, vm0, $0xb8;
	[tilespmem:$0x10200] =	vst v63  }
0xd2: {  	s14 =	simm.s32 $0xBA00  }
0xd3: {  	[tilespmem:s14], [sflag:$0x3] =	stream.indirect_vreg.gather [hbm4b:s7+s3], $0x80, v3, vm0, $0xb8;
	[tilespmem:$0x10200] =	vst v63  }
0xd4: {  	_ =	swait.ge [sflag:s29], $0x4000  }
0xd5: {  	[sflag:s29] =	ssyncset.done $0x0  }
0xd6: {  	s4 =	sadd.s32 $0x1800, s4;
	[sflag:s29] =	ssyncadd.s32 $0xFFFFC000  }
0xd7: {  	[hbm4b:s4+s3] =	stream.linear.scatter [tilespmem:s12], [sflag:$0x8], $0x4000, $0x38;
	[tilespmem:$0x10200] =	vst v63  }
0xd8: {  	_ =	swait.ge [sflag:s30], $0x4000  }
0xd9: {  	[sflag:s30] =	ssyncset.done $0x0  }
0xda: {  	[sflag:s30] =	ssyncadd.s32 $0xFFFFC000  }
0xdb: {  	v3 =	vld [tilespmem:s0+$0x0];
	_ =	sdelay $0x4  }
0xdc: {  	vm1 =	vgt.s32 v3, $0x0  }
0xdd: {  	v3 =	vnsel vm1, $0x0, v3  }
0xde: {  	v63 =	vshll.u32 v3, $0x3  }
0xdf: {  	v3 =	vand.u32 $0x7, v3;
	v4 =	vand.u32 $0xFFFFFFC0, v63  }
0xe0: {  	v3 =	vor.u32 v3, v4  }
0xe1: {  	v4 =	vperm.xlane v3, v0;
	_ =	sdelay $0x1  }
0xe2: {  	v4 =	vadd.s32 v1, v4;
	_ =	sdelay $0x4  }
0xe3: {  	[tilespmem:s12], [sflag:$0x4] =	stream.indirect_vreg.gather [hbm4b:s2+s3], $0x80, v4, vm0, $0xb8;
	[tilespmem:$0x10200] =	vst v63  }
0xe4: {  	s14 =	simm.s32 $0xCA00;
	v3 =	vperm.xlane v3, v2  }
0xe5: {  	[tilespmem:s14], [sflag:$0x4] =	stream.indirect_vreg.gather [hbm4b:s5+s3], $0x80, v4, vm0, $0xb8;
	[tilespmem:$0x10200] =	vst v63  }
0xe6: {  	v3 =	vadd.s32 v1, v3;
	s14 =	simm.s32 $0xD200  }
0xe7: {  	[tilespmem:s14], [sflag:$0x4] =	stream.indirect_vreg.gather [hbm4b:s6+s3], $0x80, v4, vm0, $0xb8;
	[tilespmem:$0x10200] =	vst v63  }
0xe8: {  	s14 =	simm.s32 $0xDA00  }
0xe9: {  	[tilespmem:s14], [sflag:$0x4] =	stream.indirect_vreg.gather [hbm4b:s7+s3], $0x80, v4, vm0, $0xb8;
	[tilespmem:$0x10200] =	vst v63  }
0xea: {  	s14 =	simm.s32 $0xE200  }
0xeb: {  	[tilespmem:s14], [sflag:$0x4] =	stream.indirect_vreg.gather [hbm4b:s2+s3], $0x80, v3, vm0, $0xb8;
	[tilespmem:$0x10200] =	vst v63  }
0xec: {  	p0 =	sne.s32 s1, $0xC000  }
0xed: {  	[tilespmem:s9], [sflag:$0x4] =	stream.indirect_vreg.gather [hbm4b:s5+s3], $0x80, v3, vm0, $0xb8;
	[tilespmem:$0x10200] =	vst v63  }
.Ltmp0:
0xee: {  	_ = 	snop;
	(pc) =	sbr.rel @p0 .LBB2_2-.Ltmp0, $4  }
0xef: {  	s22 =	simm.s32 $0x200;
	s1 =	sadd.s32 $0x2000, s1;
	s31 =	simm.s32 $0x4200  }
0xf0: {  	[tilespmem:s15], [sflag:$0x4] =	stream.indirect_vreg.gather [hbm4b:s6+s3], $0x80, v3, vm0, $0xb8;
	[tilespmem:$0x10200] =	vst v63  }
0xf1: {  	s8 =	simm.s32 $0xA00;
	s11 =	simm.s32 $0x8200;
	s0 =	sadd.s32 $0x40, s0  }
0xf2: {  	[tilespmem:s19], [sflag:$0x4] =	stream.indirect_vreg.gather [hbm4b:s7+s3], $0x80, v3, vm0, $0xb8;
	[tilespmem:$0x10200] =	vst v63  }
0xf3: {  	_ =	swait.ge [sflag:s21], $0x4000  }
0xf4: {  	[sflag:s21] =	ssyncset.done $0x0  }
0xf5: {  	s0 =	rddreg [dreg:$0x6];
	[sflag:s21] =	ssyncadd.s32 $0xFFFFC000  }
0xf6: {  	[hbm4b:s0+s3] =	stream.linear.scatter [tilespmem:s22], [sflag:$0x5], $0x4000, $0x38;
	[tilespmem:$0x10200] =	vst v63  }
0xf7: {  	_ =	swait.ge [sflag:s24], $0x4000  }
0xf8: {  	[sflag:s24] =	ssyncset.done $0x0  }
0xf9: {  	s17 =	rddreg [dreg:$0x7];
	[sflag:s24] =	ssyncadd.s32 $0xFFFFC000  }
0xfa: {  	[hbm4b:s17+s3] =	stream.linear.scatter [tilespmem:s31], [sflag:$0x6], $0x4000, $0x38;
	[tilespmem:$0x10200] =	vst v63  }
0xfb: {  	_ =	swait.ge [sflag:s26], $0x4000  }
0xfc: {  	[sflag:s26] =	ssyncset.done $0x0  }
0xfd: {  	s18 =	rddreg [dreg:$0x8];
	[sflag:s26] =	ssyncadd.s32 $0xFFFFC000  }
0xfe: {  	[hbm4b:s18+s3] =	stream.linear.scatter [tilespmem:s11], [sflag:$0x7], $0x4000, $0x38;
	[tilespmem:$0x10200] =	vst v63  }
0xff: {  	_ =	swait.ge [sflag:s29], $0x4000  }
0x100: {  	[sflag:s29] =	ssyncset.done $0x0  }
0x101: {  	s19 =	rddreg [dreg:$0x9];
	[sflag:s29] =	ssyncadd.s32 $0xFFFFC000  }
0x102: {  	[hbm4b:s19+s3] =	stream.linear.scatter [tilespmem:s12], [sflag:$0x8], $0x4000, $0x38;
	[tilespmem:$0x10200] =	vst v63  }
0x103: {  	_ =	swait.ge [sflag:s23], $0x4000  }
0x104: {  	[sflag:s23] =	ssyncset.done $0x0  }
0x105: {  	[sflag:s23] =	ssyncadd.s32 $0xFFFFC000  }
0x106: {  	_ =	swait.ge [sflag:s25], $0x4000  }
0x107: {  	[sflag:s25] =	ssyncset.done $0x0  }
0x108: {  	[sflag:s25] =	ssyncadd.s32 $0xFFFFC000  }
0x109: {  	_ =	swait.ge [sflag:s28], $0x4000  }
0x10a: {  	[sflag:s28] =	ssyncset.done $0x0  }
0x10b: {  	[sflag:s28] =	ssyncadd.s32 $0xFFFFC000  }
0x10c: {  	_ =	swait.ge [sflag:s30], $0x4000  }
0x10d: {  	s1 =	rddreg [dreg:$0xb]  }
0x10e: {  	s20 =	rddreg [dreg:$0xa];
	s1 =	sadd.s32 $0x1, s1  }
0x10f: {  	s4 =	simm.s32 $0x1A00;
	p0 =	sne.s32 s1, s20  }
.Ltmp1:
0x110: {  	s9 =	simm.s32 $0x2200;
	s10 =	simm.s32 $0x2A00;
	(pc) =	sbr.rel @p0 .LBB2_1-.Ltmp1, $4  }
0x111: {  	s13 =	simm.s32 $0x3A00;
	s15 =	simm.s32 $0x4A00;
	s16 =	simm.s32 $0x5200  }
0x112: {  	s14 =	simm.s32 $0x6A00;
	s17 =	simm.s32 $0x5A00;
	[sflag:s30] =	ssyncset.done $0x0  }
0x113: {  	s18 =	simm.s32 $0x6200;
	s19 =	simm.s32 $0x3200;
	[sflag:s30] =	ssyncadd.s32 $0xFFFFC000  }
0x114: {  	[dreg:$0xb] =	wrdreg s1;
	s1 =	simm.s32 $0x1200;
	s20 =	simm.s32 $0x7200  }
0x115: {  	_ =	sfence.sel $0x180000  }
0x116: {  	[bflag:$0x0] =	sbarrier.arrive $0xFFFF  }
0x117: {  	_ =	strace $0x90000047  }
0x118: {  	s0 =	stileid.u32;
	[bflag:$0x2] =	sbarrier.arrive $0xFFFF  }
0x119: {  	p0 =	sne.s32 s0, $0x0;
	s0 =	rddreg [dreg:$0x3]  }
0x11a: {  	s0 =	sadd.s32 @!p0 $0x100000, s0  }
0x11b: {  	[sflag:s0] =	ssyncadd.tile.s32 @!p0 $0x1;
	_ =	shalt  }
.Lfunc_end2:
_tile_overlayer_lowered:
.L_overlay_start_2:
0x11c: {  	(tag) =	ssettag $0x2  }
0x11d: {  	s0 =	rddreg [dreg:$0x0];
	s2 =	stileid.u32  }
0x11e: {  	s1 =	rddreg [dreg:$0x1];
	p0 =	sne.s32 s2, $0x0  }
0x11f: {  	s3 =	rddreg [dreg:$0x2];
	[bflag:$0x3] =	sbarrier.arrive $0xFFFF;
	s2 =	simm.s32 @!p0 $0x1C09  }
0x120: {  	[timem:s3], [sflag:s2] =	dma.local @!p0 [hbm:s0], s1  }
0x121: {  	s0 =	simm.s32 @!p0 $0x9  }
0x122: {  	_ =	swait.ge @!p0 [sflag:s0], s1  }
0x123: {  	s1 =	ssub.s32 @!p0 $0x0, s1;
	[sflag:s0] =	ssyncset.done @!p0 $0x0  }
0x124: {  	[sflag:s0] =	ssyncadd.s32 @!p0 s1  }
0x125: {  	[bflag:$0x3] =	sbarrier.arrive $0xFFFF  }
0x126: {  	_ =	shalt  }

</sc_bundles>
